<compile_context>
chip_gen: v7x
topology: tpu7x:2x2x1
jax: 0.10.2.dev20260603
libtpu: 0.0.44.dev20260713+nightly
codegen_flags: <defaults>
</compile_context>

<pallas_src>
import functools

import jax
import jax.numpy as jnp
from jax import lax
from jax.experimental import pallas as pl
from jax.experimental.pallas import tpu as pltpu
from jax.experimental.pallas import tpu_sc as plsc

B, L, N, H, V = 4, 512, 2048, 1024, 50265
_PTR_OFF = 10
_EOS_INPUT_ID = 2
_TGT_LO = 50255
_NEG_WORD = float(-1e32)
_NEG_PAD = float(-1e24)

_NC, _NS = 2, 16
_NW = _NC * _NS
_CHUNK = 32


@functools.cache
def _sc_gather(nrows):
    per_w = nrows // _NW

    def body(table_hbm, idx_hbm, out_hbm, idx_v, rows0, rows1,
             gsem0, gsem1, wsem0, wsem1):
        wid = lax.axis_index("s") * _NC + lax.axis_index("c")
        base = wid * per_w
        pltpu.sync_copy(idx_hbm.at[pl.ds(base, per_w)], idx_v)
        bufs, gsems, wsems = (rows0, rows1), (gsem0, gsem1), (wsem0, wsem1)
        nch = per_w // _CHUNK
        hg, hw = [None] * nch, [None] * nch

        def start_gather(c):
            hg[c] = pltpu.async_copy(
                table_hbm.at[idx_v.at[pl.ds(c * _CHUNK, _CHUNK)]],
                bufs[c & 1], gsems[c & 1])

        def start_writeback(c):
            hw[c] = pltpu.async_copy(
                bufs[c & 1], out_hbm.at[pl.ds(base + c * _CHUNK, _CHUNK)],
                wsems[c & 1])

        start_gather(0)
        for c in range(nch):
            if c + 1 < nch:
                if c >= 1:
                    hw[c - 1].wait()
                start_gather(c + 1)
            hg[c].wait()
            start_writeback(c)
        hw[nch - 2].wait()
        hw[nch - 1].wait()

    return pl.kernel(
        body,
        mesh=plsc.VectorSubcoreMesh(core_axis_name="c", subcore_axis_name="s"),
        out_type=jax.ShapeDtypeStruct((nrows, H), jnp.float32),
        scratch_types=[
            pltpu.VMEM((per_w,), jnp.int32),
            pltpu.VMEM((_CHUNK, H), jnp.float32),
            pltpu.VMEM((_CHUNK, H), jnp.float32),
            pltpu.SemaphoreType.DMA,
            pltpu.SemaphoreType.DMA,
            pltpu.SemaphoreType.DMA,
            pltpu.SemaphoreType.DMA,
        ],
    )

_TN = 1024
_NBH = 2


def _tc_body(lhs_ref, g_ref, s_ref, m_ref, wh_ref, *rest):
    out_ref = rest[-1]
    j = pl.program_id(1)
    l = lhs_ref[0]
    keys = (g_ref[0] + s_ref[0]).astype(jnp.bfloat16)
    a = lax.dot_general(l, keys, (((1,), (1,)), ((), ())),
                        preferred_element_type=jnp.float32)
    m = m_ref[0]
    masked = jnp.where(m > 0, _NEG_WORD, a)

    @pl.when(j == 0)
    def _head():
        h = lax.dot_general(l, wh_ref[...], (((1,), (1,)), ((), ())),
                            preferred_element_type=jnp.float32)
        col = lax.broadcasted_iota(jnp.int32, (L, 16), 1)
        out_ref[0, :, pl.ds(0, 16)] = jnp.where(col == 0, _NEG_PAD, h)

    for k in range(N // _TN):
        @pl.when(j == k)
        def _store(k=k):
            out_ref[0, :, pl.ds(_PTR_OFF + k * _TN, _TN)] = masked


def _tc_chunk_call(b_base, nb, aliased):
    in_specs = [
        pl.BlockSpec((1, L, H), lambda b, j: (b + b_base, 0, 0)),
        pl.BlockSpec((1, _TN, H), lambda b, j: (b, j, 0)),
        pl.BlockSpec((1, _TN, H), lambda b, j: (b + b_base, j, 0)),
        pl.BlockSpec((1, 1, _TN), lambda b, j: (b + b_base, 0, j)),
        pl.BlockSpec((16, H), lambda b, j: (0, 0)),
    ]
    kwargs = {}
    if aliased:
        in_specs.append(
            pl.BlockSpec((1, 8, _PTR_OFF + N), lambda b, j: (0, 0, 0)))
        kwargs["input_output_aliases"] = {5: 0}
    return pl.pallas_call(
        _tc_body,
        grid=(nb, N // _TN),
        in_specs=in_specs,
        out_specs=pl.BlockSpec((1, L, _PTR_OFF + N),
                               lambda b, j: (b + b_base, 0, 0)),
        out_shape=jax.ShapeDtypeStruct((B, L, _PTR_OFF + N), jnp.float32),
        compiler_params=pltpu.CompilerParams(
            dimension_semantics=("parallel", "arbitrary"),
        ),
        **kwargs,
    )


def kernel(last_hidden_state, encoder_last_hidden_state, encoder_input_ids,
           encoder_attention_mask, emb_weight):
    ids = encoder_input_ids.astype(jnp.int32)

    eos_seen = jnp.cumsum((ids == _EOS_INPUT_ID).astype(jnp.int32), axis=1) >= 1
    maskf = ((encoder_attention_mask == 0) | eos_seen).astype(jnp.float32)
    maskf = maskf.reshape(B, 1, N)

    lhs_bf = (last_hidden_state * 0.5).astype(jnp.bfloat16)
    wh = jnp.concatenate(
        [lax.slice_in_dim(emb_weight, _TGT_LO, _TGT_LO + _PTR_OFF, axis=0) * 2.0,
         jnp.zeros((16 - _PTR_OFF, H), jnp.float32)], axis=0
    ).astype(jnp.bfloat16)

    src = encoder_last_hidden_state
    chunks = ((0, 2), (2, 2))
    gathered = [
        _sc_gather(nb * N)(emb_weight, ids[b0:b0 + nb].reshape(nb * N))
        .reshape(nb, N, H)
        for b0, nb in chunks
    ]
    logits = None
    for (b0, nb), g in zip(chunks, gathered):
        args = (lhs_bf, g, src, maskf, wh)
        if logits is None:
            logits = _tc_chunk_call(b0, nb, False)(*args)
        else:
            logits = _tc_chunk_call(b0, nb, True)(*args, logits)
    return logits

# --- scband reference (transcript-rebuilt; emitter-appended) ---
"""Pipeline reference for scband-pointer-head-64269890617464 (READ-ONLY COPY).

The authoritative reference and input builder live on the scoring server;
editing this copy changes nothing except your own understanding.
"""

import jax, jax.numpy as jnp
import numpy as np

TARGET_TOKEN_IDS = np.array([50255, 50256, 50257, 50258, 50259, 50260, 50261, 50262, 50263, 50264], dtype=np.int32)
LABEL_IDS = [2, 3, 4, 5, 6, 7, 8, 9]
EOS_ID = 1
PAD_ID = 0
POINTER_OFFSET = len(TARGET_TOKEN_IDS)  # 10
EOS_TOKEN_ID = int(TARGET_TOKEN_IDS[EOS_ID])  # 50256
LABEL_TOKEN_IDS = TARGET_TOKEN_IDS[np.array(LABEL_IDS)]

B, L, N, H, V = 4, 512, 2048, 1024, 50265


def setup_inputs(seed: int = 0) -> dict:
    key = jax.random.key(seed)
    k1, k2, k3, k4 = jax.random.split(key, 4)
    last_hidden_state = jax.random.normal(k1, (B, L, H), dtype=jnp.float32)
    encoder_last_hidden_state = jax.random.normal(k2, (B, N, H), dtype=jnp.float32)
    encoder_input_ids = jax.random.randint(k3, (B, N), 0, V)
    encoder_attention_mask = jnp.ones((B, N), dtype=jnp.int32)
    emb_weight = jax.random.normal(k4, (V, H), dtype=jnp.float32) * 0.02
    return {
        'last_hidden_state': last_hidden_state,
        'encoder_last_hidden_state': encoder_last_hidden_state,
        'encoder_input_ids': encoder_input_ids,
        'encoder_attention_mask': encoder_attention_mask,
        'emb_weight': emb_weight,
    }


def reference(last_hidden_state, encoder_last_hidden_state, encoder_input_ids, encoder_attention_mask, emb_weight):
    # eos score: F.linear(lhs, W[[eos_token_id]]) -> [B, L, 1]
    eos_w = emb_weight[EOS_TOKEN_ID][None, :]
    eos_scores = jnp.einsum('blh,kh->blk', last_hidden_state, eos_w)
    # label scores: F.linear(lhs, W[label_token_ids]) -> [B, L, n_labels]
    label_emb = jnp.take(emb_weight, jnp.asarray(LABEL_TOKEN_IDS), axis=0)
    label_scores = jnp.einsum('blh,kh->blk', last_hidden_state, label_emb)
    # src_outputs (no encoder_mlp since use_encoder_mlp=False)
    src_outputs = encoder_last_hidden_state
    # embedding lookup (gather) of encoder input ids
    input_embed = jnp.take(emb_weight, encoder_input_ids, axis=0)
    word_scores = jnp.einsum('blh,bnh->bln', last_hidden_state, src_outputs)
    gen_scores = jnp.einsum('blh,bnh->bln', last_hidden_state, input_embed)
    avg_word_scores = (gen_scores + word_scores) / 2.0
    mask = (encoder_attention_mask == 0)[:, None, :]
    eos_seen = (jnp.cumsum((encoder_input_ids == 2).astype(jnp.int32), axis=1) >= 1)[:, None, :]
    mask = mask | eos_seen
    avg_word_scores = jnp.where(mask, jnp.float32(-1e32), avg_word_scores)
    logits = jnp.full((B, L, POINTER_OFFSET + N), -1e24, dtype=jnp.float32)
    logits = logits.at[:, :, 1:2].set(eos_scores)
    logits = logits.at[:, :, 2:POINTER_OFFSET].set(label_scores)
    logits = logits.at[:, :, POINTER_OFFSET:].set(avg_word_scores)
    return logits

if __name__ == "__main__":
    import jax
    _d = setup_inputs()
    print(jax.jit(kernel)(*tuple(_d.values())))

</pallas_src>

<mosaic_0001>
#map = affine_map<(d0, d1) -> (0, 0)>
#map1 = affine_map<(d0, d1) -> (0)>
module attributes {stable_mosaic.version = 14 : i64} {
  func.func @body(%arg0: i32, %arg1: i32, %arg2: memref<50265x1024xf32, #tpu.memory_space<hbm>>, %arg3: memref<4096xi32, #tpu.memory_space<hbm>>, %arg4: memref<4096x1024xf32, #tpu.memory_space<hbm>>, %arg5: memref<128xi32, #tpu.memory_space<vmem>>, %arg6: memref<32x1024xf32, #tpu.memory_space<vmem>>, %arg7: memref<32x1024xf32, #tpu.memory_space<vmem>>, %arg8: memref<!tpu.dma_semaphore, #tpu.memory_space<semaphore_mem>>, %arg9: memref<!tpu.dma_semaphore, #tpu.memory_space<semaphore_mem>>, %arg10: memref<!tpu.dma_semaphore, #tpu.memory_space<semaphore_mem>>, %arg11: memref<!tpu.dma_semaphore, #tpu.memory_space<semaphore_mem>>) attributes {dimension_semantics = [#tpu.dimension_semantics<core_parallel>, #tpu.dimension_semantics<subcore_parallel>], iteration_bounds = array<i64: 2, 16>, scalar_prefetch = 0 : i64, scratch_operands = 7 : i64, tpu.core_type = #tpu.core_type<sc_vector_subcore>, window_params = [{transform_indices = #map}, {transform_indices = #map1}, {transform_indices = #map}]} {
    %mul3A = arith.constant 2 : i32
    %mul3A_0 = arith.muli %arg1, %mul3A : i32
    %add3A = arith.addi %mul3A_0, %arg0 : i32
    %mul3A_1 = arith.constant 128 : i32
    %mul3A_2 = arith.muli %add3A, %mul3A_1 : i32
    "tpu.region"() ({
      %run_scoped3A = tpu.sem_alloc : memref<!tpu.dma_semaphore, #tpu.memory_space<semaphore_mem>>
      %dma_start3A_81 = tpu.memref_slice %arg3[%mul3A_2] : memref<4096xi32, #tpu.memory_space<hbm>> -> memref<128xi32, #tpu.memory_space<hbm>>
      %dma_start3A_82 = tpu.memref_slice %arg3[%mul3A_2] : memref<4096xi32, #tpu.memory_space<hbm>> -> memref<128xi32, #tpu.memory_space<hbm>>
      tpu.enqueue_dma source(%dma_start3A_82 : memref<128xi32, #tpu.memory_space<hbm>>) target(%arg5 : memref<128xi32, #tpu.memory_space<vmem>>) target_semaphore(%run_scoped3A : memref<!tpu.dma_semaphore, #tpu.memory_space<semaphore_mem>>)
      %dma_wait3A_83 = tpu.memref_slice %arg3[%mul3A_2] : memref<4096xi32, #tpu.memory_space<hbm>> -> memref<128xi32, #tpu.memory_space<hbm>>
      %dma_wait3A_84 = tpu.memref_slice %arg3[%mul3A_2] : memref<4096xi32, #tpu.memory_space<hbm>> -> memref<128xi32, #tpu.memory_space<hbm>>
      tpu.wait_dma2 semaphore(%run_scoped3A : memref<!tpu.dma_semaphore, #tpu.memory_space<semaphore_mem>>) src(%dma_wait3A_84 : memref<128xi32, #tpu.memory_space<hbm>>) dst(%arg5 : memref<128xi32, #tpu.memory_space<vmem>>)
      tpu.yield
    }) : () -> ()
    %dma_start3A = arith.constant 0 : i32
    %dma_start3A_3 = tpu.memref_slice %arg5[%dma_start3A] : memref<128xi32, #tpu.memory_space<vmem>> -> memref<32xi32, #tpu.memory_space<vmem>>
    %dma_start3A_4 = arith.constant 0 : i32
    %dma_start3A_5 = arith.constant 0 : i32
    %dma_start3A_6 = tpu.memref_slice %arg2[%dma_start3A_4, %dma_start3A_5] : memref<50265x1024xf32, #tpu.memory_space<hbm>> -> memref<50265x1024xf32, #tpu.memory_space<hbm>>
    tpu.enqueue_indirect_dma source(%dma_start3A_6 : memref<50265x1024xf32, #tpu.memory_space<hbm>>) target(%arg6 : memref<32x1024xf32, #tpu.memory_space<vmem>>) offsets(%dma_start3A_3 : memref<32xi32, #tpu.memory_space<vmem>>) semaphore(%arg8 : memref<!tpu.dma_semaphore, #tpu.memory_space<semaphore_mem>>)
    %dma_start3A_7 = arith.constant 32 : i32
    %dma_start3A_8 = tpu.memref_slice %arg5[%dma_start3A_7] : memref<128xi32, #tpu.memory_space<vmem>> -> memref<32xi32, #tpu.memory_space<vmem>>
    %dma_start3A_9 = arith.constant 0 : i32
    %dma_start3A_10 = arith.constant 0 : i32
    %dma_start3A_11 = tpu.memref_slice %arg2[%dma_start3A_9, %dma_start3A_10] : memref<50265x1024xf32, #tpu.memory_space<hbm>> -> memref<50265x1024xf32, #tpu.memory_space<hbm>>
    tpu.enqueue_indirect_dma source(%dma_start3A_11 : memref<50265x1024xf32, #tpu.memory_space<hbm>>) target(%arg7 : memref<32x1024xf32, #tpu.memory_space<vmem>>) offsets(%dma_start3A_8 : memref<32xi32, #tpu.memory_space<vmem>>) semaphore(%arg9 : memref<!tpu.dma_semaphore, #tpu.memory_space<semaphore_mem>>)
    %dma_wait3A = arith.constant 0 : i32
    %dma_wait3A_12 = tpu.memref_slice %arg5[%dma_wait3A] : memref<128xi32, #tpu.memory_space<vmem>> -> memref<32xi32, #tpu.memory_space<vmem>>
    %dma_wait3A_13 = arith.constant 0 : i32
    %dma_wait3A_14 = arith.constant 0 : i32
    %dma_wait3A_15 = tpu.memref_slice %arg2[%dma_wait3A_13, %dma_wait3A_14] : memref<50265x1024xf32, #tpu.memory_space<hbm>> -> memref<50265x1024xf32, #tpu.memory_space<hbm>>
    tpu.wait_indirect_dma semaphore(%arg8 : memref<!tpu.dma_semaphore, #tpu.memory_space<semaphore_mem>>) src(%dma_wait3A_15 : memref<50265x1024xf32, #tpu.memory_space<hbm>>) dst(%arg6 : memref<32x1024xf32, #tpu.memory_space<vmem>>)
    %add3A_16 = arith.constant 0 : i32
    %add3A_17 = arith.addi %mul3A_2, %add3A_16 : i32
    %dma_start3A_18 = arith.constant 0 : i32
    %dma_start3A_19 = tpu.memref_slice %arg4[%add3A_17, %dma_start3A_18] : memref<4096x1024xf32, #tpu.memory_space<hbm>> -> memref<32x1024xf32, #tpu.memory_space<hbm>>
    %dma_start3A_20 = arith.constant 0 : i32
    %dma_start3A_21 = tpu.memref_slice %arg4[%add3A_17, %dma_start3A_20] : memref<4096x1024xf32, #tpu.memory_space<hbm>> -> memref<32x1024xf32, #tpu.memory_space<hbm>>
    tpu.enqueue_dma source(%arg6 : memref<32x1024xf32, #tpu.memory_space<vmem>>) target(%dma_start3A_21 : memref<32x1024xf32, #tpu.memory_space<hbm>>) target_semaphore(%arg10 : memref<!tpu.dma_semaphore, #tpu.memory_space<semaphore_mem>>)
    %dma_wait3A_22 = arith.constant 0 : i32
    %dma_wait3A_23 = tpu.memref_slice %arg4[%add3A_17, %dma_wait3A_22] : memref<4096x1024xf32, #tpu.memory_space<hbm>> -> memref<32x1024xf32, #tpu.memory_space<hbm>>
    %dma_wait3A_24 = arith.constant 0 : i32
    %dma_wait3A_25 = tpu.memref_slice %arg4[%add3A_17, %dma_wait3A_24] : memref<4096x1024xf32, #tpu.memory_space<hbm>> -> memref<32x1024xf32, #tpu.memory_space<hbm>>
    tpu.wait_dma2 semaphore(%arg10 : memref<!tpu.dma_semaphore, #tpu.memory_space<semaphore_mem>>) src(%arg6 : memref<32x1024xf32, #tpu.memory_space<vmem>>) dst(%dma_wait3A_25 : memref<32x1024xf32, #tpu.memory_space<hbm>>)
    %dma_start3A_26 = arith.constant 64 : i32
    %dma_start3A_27 = tpu.memref_slice %arg5[%dma_start3A_26] : memref<128xi32, #tpu.memory_space<vmem>> -> memref<32xi32, #tpu.memory_space<vmem>>
    %dma_start3A_28 = arith.constant 0 : i32
    %dma_start3A_29 = arith.constant 0 : i32
    %dma_start3A_30 = tpu.memref_slice %arg2[%dma_start3A_28, %dma_start3A_29] : memref<50265x1024xf32, #tpu.memory_space<hbm>> -> memref<50265x1024xf32, #tpu.memory_space<hbm>>
    tpu.enqueue_indirect_dma source(%dma_start3A_30 : memref<50265x1024xf32, #tpu.memory_space<hbm>>) target(%arg6 : memref<32x1024xf32, #tpu.memory_space<vmem>>) offsets(%dma_start3A_27 : memref<32xi32, #tpu.memory_space<vmem>>) semaphore(%arg8 : memref<!tpu.dma_semaphore, #tpu.memory_space<semaphore_mem>>)
    %dma_wait3A_31 = arith.constant 32 : i32
    %dma_wait3A_32 = tpu.memref_slice %arg5[%dma_wait3A_31] : memref<128xi32, #tpu.memory_space<vmem>> -> memref<32xi32, #tpu.memory_space<vmem>>
    %dma_wait3A_33 = arith.constant 0 : i32
    %dma_wait3A_34 = arith.constant 0 : i32
    %dma_wait3A_35 = tpu.memref_slice %arg2[%dma_wait3A_33, %dma_wait3A_34] : memref<50265x1024xf32, #tpu.memory_space<hbm>> -> memref<50265x1024xf32, #tpu.memory_space<hbm>>
    tpu.wait_indirect_dma semaphore(%arg9 : memref<!tpu.dma_semaphore, #tpu.memory_space<semaphore_mem>>) src(%dma_wait3A_35 : memref<50265x1024xf32, #tpu.memory_space<hbm>>) dst(%arg7 : memref<32x1024xf32, #tpu.memory_space<vmem>>)
    %add3A_36 = arith.constant 32 : i32
    %add3A_37 = arith.addi %mul3A_2, %add3A_36 : i32
    %dma_start3A_38 = arith.constant 0 : i32
    %dma_start3A_39 = tpu.memref_slice %arg4[%add3A_37, %dma_start3A_38] : memref<4096x1024xf32, #tpu.memory_space<hbm>> -> memref<32x1024xf32, #tpu.memory_space<hbm>>
    %dma_start3A_40 = arith.constant 0 : i32
    %dma_start3A_41 = tpu.memref_slice %arg4[%add3A_37, %dma_start3A_40] : memref<4096x1024xf32, #tpu.memory_space<hbm>> -> memref<32x1024xf32, #tpu.memory_space<hbm>>
    tpu.enqueue_dma source(%arg7 : memref<32x1024xf32, #tpu.memory_space<vmem>>) target(%dma_start3A_41 : memref<32x1024xf32, #tpu.memory_space<hbm>>) target_semaphore(%arg11 : memref<!tpu.dma_semaphore, #tpu.memory_space<semaphore_mem>>)
    %dma_wait3A_42 = arith.constant 0 : i32
    %dma_wait3A_43 = tpu.memref_slice %arg4[%add3A_37, %dma_wait3A_42] : memref<4096x1024xf32, #tpu.memory_space<hbm>> -> memref<32x1024xf32, #tpu.memory_space<hbm>>
    %dma_wait3A_44 = arith.constant 0 : i32
    %dma_wait3A_45 = tpu.memref_slice %arg4[%add3A_37, %dma_wait3A_44] : memref<4096x1024xf32, #tpu.memory_space<hbm>> -> memref<32x1024xf32, #tpu.memory_space<hbm>>
    tpu.wait_dma2 semaphore(%arg11 : memref<!tpu.dma_semaphore, #tpu.memory_space<semaphore_mem>>) src(%arg7 : memref<32x1024xf32, #tpu.memory_space<vmem>>) dst(%dma_wait3A_45 : memref<32x1024xf32, #tpu.memory_space<hbm>>)
    %dma_start3A_46 = arith.constant 96 : i32
    %dma_start3A_47 = tpu.memref_slice %arg5[%dma_start3A_46] : memref<128xi32, #tpu.memory_space<vmem>> -> memref<32xi32, #tpu.memory_space<vmem>>
    %dma_start3A_48 = arith.constant 0 : i32
    %dma_start3A_49 = arith.constant 0 : i32
    %dma_start3A_50 = tpu.memref_slice %arg2[%dma_start3A_48, %dma_start3A_49] : memref<50265x1024xf32, #tpu.memory_space<hbm>> -> memref<50265x1024xf32, #tpu.memory_space<hbm>>
    tpu.enqueue_indirect_dma source(%dma_start3A_50 : memref<50265x1024xf32, #tpu.memory_space<hbm>>) target(%arg7 : memref<32x1024xf32, #tpu.memory_space<vmem>>) offsets(%dma_start3A_47 : memref<32xi32, #tpu.memory_space<vmem>>) semaphore(%arg9 : memref<!tpu.dma_semaphore, #tpu.memory_space<semaphore_mem>>)
    %dma_wait3A_51 = arith.constant 64 : i32
    %dma_wait3A_52 = tpu.memref_slice %arg5[%dma_wait3A_51] : memref<128xi32, #tpu.memory_space<vmem>> -> memref<32xi32, #tpu.memory_space<vmem>>
    %dma_wait3A_53 = arith.constant 0 : i32
    %dma_wait3A_54 = arith.constant 0 : i32
    %dma_wait3A_55 = tpu.memref_slice %arg2[%dma_wait3A_53, %dma_wait3A_54] : memref<50265x1024xf32, #tpu.memory_space<hbm>> -> memref<50265x1024xf32, #tpu.memory_space<hbm>>
    tpu.wait_indirect_dma semaphore(%arg8 : memref<!tpu.dma_semaphore, #tpu.memory_space<semaphore_mem>>) src(%dma_wait3A_55 : memref<50265x1024xf32, #tpu.memory_space<hbm>>) dst(%arg6 : memref<32x1024xf32, #tpu.memory_space<vmem>>)
    %add3A_56 = arith.constant 64 : i32
    %add3A_57 = arith.addi %mul3A_2, %add3A_56 : i32
    %dma_start3A_58 = arith.constant 0 : i32
    %dma_start3A_59 = tpu.memref_slice %arg4[%add3A_57, %dma_start3A_58] : memref<4096x1024xf32, #tpu.memory_space<hbm>> -> memref<32x1024xf32, #tpu.memory_space<hbm>>
    %dma_start3A_60 = arith.constant 0 : i32
    %dma_start3A_61 = tpu.memref_slice %arg4[%add3A_57, %dma_start3A_60] : memref<4096x1024xf32, #tpu.memory_space<hbm>> -> memref<32x1024xf32, #tpu.memory_space<hbm>>
    tpu.enqueue_dma source(%arg6 : memref<32x1024xf32, #tpu.memory_space<vmem>>) target(%dma_start3A_61 : memref<32x1024xf32, #tpu.memory_space<hbm>>) target_semaphore(%arg10 : memref<!tpu.dma_semaphore, #tpu.memory_space<semaphore_mem>>)
    %dma_wait3A_62 = arith.constant 96 : i32
    %dma_wait3A_63 = tpu.memref_slice %arg5[%dma_wait3A_62] : memref<128xi32, #tpu.memory_space<vmem>> -> memref<32xi32, #tpu.memory_space<vmem>>
    %dma_wait3A_64 = arith.constant 0 : i32
    %dma_wait3A_65 = arith.constant 0 : i32
    %dma_wait3A_66 = tpu.memref_slice %arg2[%dma_wait3A_64, %dma_wait3A_65] : memref<50265x1024xf32, #tpu.memory_space<hbm>> -> memref<50265x1024xf32, #tpu.memory_space<hbm>>
    tpu.wait_indirect_dma semaphore(%arg9 : memref<!tpu.dma_semaphore, #tpu.memory_space<semaphore_mem>>) src(%dma_wait3A_66 : memref<50265x1024xf32, #tpu.memory_space<hbm>>) dst(%arg7 : memref<32x1024xf32, #tpu.memory_space<vmem>>)
    %add3A_67 = arith.constant 96 : i32
    %add3A_68 = arith.addi %mul3A_2, %add3A_67 : i32
    %dma_start3A_69 = arith.constant 0 : i32
    %dma_start3A_70 = tpu.memref_slice %arg4[%add3A_68, %dma_start3A_69] : memref<4096x1024xf32, #tpu.memory_space<hbm>> -> memref<32x1024xf32, #tpu.memory_space<hbm>>
    %dma_start3A_71 = arith.constant 0 : i32
    %dma_start3A_72 = tpu.memref_slice %arg4[%add3A_68, %dma_start3A_71] : memref<4096x1024xf32, #tpu.memory_space<hbm>> -> memref<32x1024xf32, #tpu.memory_space<hbm>>
    tpu.enqueue_dma source(%arg7 : memref<32x1024xf32, #tpu.memory_space<vmem>>) target(%dma_start3A_72 : memref<32x1024xf32, #tpu.memory_space<hbm>>) target_semaphore(%arg11 : memref<!tpu.dma_semaphore, #tpu.memory_space<semaphore_mem>>)
    %dma_wait3A_73 = arith.constant 0 : i32
    %dma_wait3A_74 = tpu.memref_slice %arg4[%add3A_57, %dma_wait3A_73] : memref<4096x1024xf32, #tpu.memory_space<hbm>> -> memref<32x1024xf32, #tpu.memory_space<hbm>>
    %dma_wait3A_75 = arith.constant 0 : i32
    %dma_wait3A_76 = tpu.memref_slice %arg4[%add3A_57, %dma_wait3A_75] : memref<4096x1024xf32, #tpu.memory_space<hbm>> -> memref<32x1024xf32, #tpu.memory_space<hbm>>
    tpu.wait_dma2 semaphore(%arg10 : memref<!tpu.dma_semaphore, #tpu.memory_space<semaphore_mem>>) src(%arg6 : memref<32x1024xf32, #tpu.memory_space<vmem>>) dst(%dma_wait3A_76 : memref<32x1024xf32, #tpu.memory_space<hbm>>)
    %dma_wait3A_77 = arith.constant 0 : i32
    %dma_wait3A_78 = tpu.memref_slice %arg4[%add3A_68, %dma_wait3A_77] : memref<4096x1024xf32, #tpu.memory_space<hbm>> -> memref<32x1024xf32, #tpu.memory_space<hbm>>
    %dma_wait3A_79 = arith.constant 0 : i32
    %dma_wait3A_80 = tpu.memref_slice %arg4[%add3A_68, %dma_wait3A_79] : memref<4096x1024xf32, #tpu.memory_space<hbm>> -> memref<32x1024xf32, #tpu.memory_space<hbm>>
    tpu.wait_dma2 semaphore(%arg11 : memref<!tpu.dma_semaphore, #tpu.memory_space<semaphore_mem>>) src(%arg7 : memref<32x1024xf32, #tpu.memory_space<vmem>>) dst(%dma_wait3A_80 : memref<32x1024xf32, #tpu.memory_space<hbm>>)
    return
  }
}

#map = affine_map<(d0, d1) -> (0, 0)>
#map1 = affine_map<(d0, d1) -> (0)>
module attributes {stable_mosaic.version = 14 : i64} {
  func.func @body(%arg0: i32, %arg1: i32, %arg2: memref<50265x1024xf32, #tpu.memory_space<hbm>>, %arg3: memref<4096xi32, #tpu.memory_space<hbm>>, %arg4: memref<4096x1024xf32, #tpu.memory_space<hbm>>, %arg5: memref<128xi32, #tpu.memory_space<vmem>>, %arg6: memref<32x1024xf32, #tpu.memory_space<vmem>>, %arg7: memref<32x1024xf32, #tpu.memory_space<vmem>>, %arg8: memref<!tpu.dma_semaphore, #tpu.memory_space<semaphore_mem>>, %arg9: memref<!tpu.dma_semaphore, #tpu.memory_space<semaphore_mem>>, %arg10: memref<!tpu.dma_semaphore, #tpu.memory_space<semaphore_mem>>, %arg11: memref<!tpu.dma_semaphore, #tpu.memory_space<semaphore_mem>>) attributes {dimension_semantics = [#tpu.dimension_semantics<core_parallel>, #tpu.dimension_semantics<subcore_parallel>], iteration_bounds = array<i64: 2, 16>, scalar_prefetch = 0 : i64, scratch_operands = 7 : i64, tpu.core_type = #tpu.core_type<sc_vector_subcore>, window_params = [{transform_indices = #map}, {transform_indices = #map1}, {transform_indices = #map}]} {
    %mul3A = arith.constant 2 : i32
    %mul3A_0 = arith.muli %arg1, %mul3A : i32
    %add3A = arith.addi %mul3A_0, %arg0 : i32
    %mul3A_1 = arith.constant 128 : i32
    %mul3A_2 = arith.muli %add3A, %mul3A_1 : i32
    "tpu.region"() ({
      %run_scoped3A = tpu.sem_alloc : memref<!tpu.dma_semaphore, #tpu.memory_space<semaphore_mem>>
      %dma_start3A_81 = tpu.memref_slice %arg3[%mul3A_2] : memref<4096xi32, #tpu.memory_space<hbm>> -> memref<128xi32, #tpu.memory_space<hbm>>
      %dma_start3A_82 = tpu.memref_slice %arg3[%mul3A_2] : memref<4096xi32, #tpu.memory_space<hbm>> -> memref<128xi32, #tpu.memory_space<hbm>>
      tpu.enqueue_dma source(%dma_start3A_82 : memref<128xi32, #tpu.memory_space<hbm>>) target(%arg5 : memref<128xi32, #tpu.memory_space<vmem>>) target_semaphore(%run_scoped3A : memref<!tpu.dma_semaphore, #tpu.memory_space<semaphore_mem>>)
      %dma_wait3A_83 = tpu.memref_slice %arg3[%mul3A_2] : memref<4096xi32, #tpu.memory_space<hbm>> -> memref<128xi32, #tpu.memory_space<hbm>>
      %dma_wait3A_84 = tpu.memref_slice %arg3[%mul3A_2] : memref<4096xi32, #tpu.memory_space<hbm>> -> memref<128xi32, #tpu.memory_space<hbm>>
      tpu.wait_dma2 semaphore(%run_scoped3A : memref<!tpu.dma_semaphore, #tpu.memory_space<semaphore_mem>>) src(%dma_wait3A_84 : memref<128xi32, #tpu.memory_space<hbm>>) dst(%arg5 : memref<128xi32, #tpu.memory_space<vmem>>)
      tpu.yield
    }) : () -> ()
    %dma_start3A = arith.constant 0 : i32
    %dma_start3A_3 = tpu.memref_slice %arg5[%dma_start3A] : memref<128xi32, #tpu.memory_space<vmem>> -> memref<32xi32, #tpu.memory_space<vmem>>
    %dma_start3A_4 = arith.constant 0 : i32
    %dma_start3A_5 = arith.constant 0 : i32
    %dma_start3A_6 = tpu.memref_slice %arg2[%dma_start3A_4, %dma_start3A_5] : memref<50265x1024xf32, #tpu.memory_space<hbm>> -> memref<50265x1024xf32, #tpu.memory_space<hbm>>
    tpu.enqueue_indirect_dma source(%dma_start3A_6 : memref<50265x1024xf32, #tpu.memory_space<hbm>>) target(%arg6 : memref<32x1024xf32, #tpu.memory_space<vmem>>) offsets(%dma_start3A_3 : memref<32xi32, #tpu.memory_space<vmem>>) semaphore(%arg8 : memref<!tpu.dma_semaphore, #tpu.memory_space<semaphore_mem>>)
    %dma_start3A_7 = arith.constant 32 : i32
    %dma_start3A_8 = tpu.memref_slice %arg5[%dma_start3A_7] : memref<128xi32, #tpu.memory_space<vmem>> -> memref<32xi32, #tpu.memory_space<vmem>>
    %dma_start3A_9 = arith.constant 0 : i32
    %dma_start3A_10 = arith.constant 0 : i32
    %dma_start3A_11 = tpu.memref_slice %arg2[%dma_start3A_9, %dma_start3A_10] : memref<50265x1024xf32, #tpu.memory_space<hbm>> -> memref<50265x1024xf32, #tpu.memory_space<hbm>>
    tpu.enqueue_indirect_dma source(%dma_start3A_11 : memref<50265x1024xf32, #tpu.memory_space<hbm>>) target(%arg7 : memref<32x1024xf32, #tpu.memory_space<vmem>>) offsets(%dma_start3A_8 : memref<32xi32, #tpu.memory_space<vmem>>) semaphore(%arg9 : memref<!tpu.dma_semaphore, #tpu.memory_space<semaphore_mem>>)
    %dma_wait3A = arith.constant 0 : i32
    %dma_wait3A_12 = tpu.memref_slice %arg5[%dma_wait3A] : memref<128xi32, #tpu.memory_space<vmem>> -> memref<32xi32, #tpu.memory_space<vmem>>
    %dma_wait3A_13 = arith.constant 0 : i32
    %dma_wait3A_14 = arith.constant 0 : i32
    %dma_wait3A_15 = tpu.memref_slice %arg2[%dma_wait3A_13, %dma_wait3A_14] : memref<50265x1024xf32, #tpu.memory_space<hbm>> -> memref<50265x1024xf32, #tpu.memory_space<hbm>>
    tpu.wait_indirect_dma semaphore(%arg8 : memref<!tpu.dma_semaphore, #tpu.memory_space<semaphore_mem>>) src(%dma_wait3A_15 : memref<50265x1024xf32, #tpu.memory_space<hbm>>) dst(%arg6 : memref<32x1024xf32, #tpu.memory_space<vmem>>)
    %add3A_16 = arith.constant 0 : i32
    %add3A_17 = arith.addi %mul3A_2, %add3A_16 : i32
    %dma_start3A_18 = arith.constant 0 : i32
    %dma_start3A_19 = tpu.memref_slice %arg4[%add3A_17, %dma_start3A_18] : memref<4096x1024xf32, #tpu.memory_space<hbm>> -> memref<32x1024xf32, #tpu.memory_space<hbm>>
    %dma_start3A_20 = arith.constant 0 : i32
    %dma_start3A_21 = tpu.memref_slice %arg4[%add3A_17, %dma_start3A_20] : memref<4096x1024xf32, #tpu.memory_space<hbm>> -> memref<32x1024xf32, #tpu.memory_space<hbm>>
    tpu.enqueue_dma source(%arg6 : memref<32x1024xf32, #tpu.memory_space<vmem>>) target(%dma_start3A_21 : memref<32x1024xf32, #tpu.memory_space<hbm>>) target_semaphore(%arg10 : memref<!tpu.dma_semaphore, #tpu.memory_space<semaphore_mem>>)
    %dma_wait3A_22 = arith.constant 0 : i32
    %dma_wait3A_23 = tpu.memref_slice %arg4[%add3A_17, %dma_wait3A_22] : memref<4096x1024xf32, #tpu.memory_space<hbm>> -> memref<32x1024xf32, #tpu.memory_space<hbm>>
    %dma_wait3A_24 = arith.constant 0 : i32
    %dma_wait3A_25 = tpu.memref_slice %arg4[%add3A_17, %dma_wait3A_24] : memref<4096x1024xf32, #tpu.memory_space<hbm>> -> memref<32x1024xf32, #tpu.memory_space<hbm>>
    tpu.wait_dma2 semaphore(%arg10 : memref<!tpu.dma_semaphore, #tpu.memory_space<semaphore_mem>>) src(%arg6 : memref<32x1024xf32, #tpu.memory_space<vmem>>) dst(%dma_wait3A_25 : memref<32x1024xf32, #tpu.memory_space<hbm>>)
    %dma_start3A_26 = arith.constant 64 : i32
    %dma_start3A_27 = tpu.memref_slice %arg5[%dma_start3A_26] : memref<128xi32, #tpu.memory_space<vmem>> -> memref<32xi32, #tpu.memory_space<vmem>>
    %dma_start3A_28 = arith.constant 0 : i32
    %dma_start3A_29 = arith.constant 0 : i32
    %dma_start3A_30 = tpu.memref_slice %arg2[%dma_start3A_28, %dma_start3A_29] : memref<50265x1024xf32, #tpu.memory_space<hbm>> -> memref<50265x1024xf32, #tpu.memory_space<hbm>>
    tpu.enqueue_indirect_dma source(%dma_start3A_30 : memref<50265x1024xf32, #tpu.memory_space<hbm>>) target(%arg6 : memref<32x1024xf32, #tpu.memory_space<vmem>>) offsets(%dma_start3A_27 : memref<32xi32, #tpu.memory_space<vmem>>) semaphore(%arg8 : memref<!tpu.dma_semaphore, #tpu.memory_space<semaphore_mem>>)
    %dma_wait3A_31 = arith.constant 32 : i32
    %dma_wait3A_32 = tpu.memref_slice %arg5[%dma_wait3A_31] : memref<128xi32, #tpu.memory_space<vmem>> -> memref<32xi32, #tpu.memory_space<vmem>>
    %dma_wait3A_33 = arith.constant 0 : i32
    %dma_wait3A_34 = arith.constant 0 : i32
    %dma_wait3A_35 = tpu.memref_slice %arg2[%dma_wait3A_33, %dma_wait3A_34] : memref<50265x1024xf32, #tpu.memory_space<hbm>> -> memref<50265x1024xf32, #tpu.memory_space<hbm>>
    tpu.wait_indirect_dma semaphore(%arg9 : memref<!tpu.dma_semaphore, #tpu.memory_space<semaphore_mem>>) src(%dma_wait3A_35 : memref<50265x1024xf32, #tpu.memory_space<hbm>>) dst(%arg7 : memref<32x1024xf32, #tpu.memory_space<vmem>>)
    %add3A_36 = arith.constant 32 : i32
    %add3A_37 = arith.addi %mul3A_2, %add3A_36 : i32
    %dma_start3A_38 = arith.constant 0 : i32
    %dma_start3A_39 = tpu.memref_slice %arg4[%add3A_37, %dma_start3A_38] : memref<4096x1024xf32, #tpu.memory_space<hbm>> -> memref<32x1024xf32, #tpu.memory_space<hbm>>
    %dma_start3A_40 = arith.constant 0 : i32
    %dma_start3A_41 = tpu.memref_slice %arg4[%add3A_37, %dma_start3A_40] : memref<4096x1024xf32, #tpu.memory_space<hbm>> -> memref<32x1024xf32, #tpu.memory_space<hbm>>
    tpu.enqueue_dma source(%arg7 : memref<32x1024xf32, #tpu.memory_space<vmem>>) target(%dma_start3A_41 : memref<32x1024xf32, #tpu.memory_space<hbm>>) target_semaphore(%arg11 : memref<!tpu.dma_semaphore, #tpu.memory_space<semaphore_mem>>)
    %dma_wait3A_42 = arith.constant 0 : i32
    %dma_wait3A_43 = tpu.memref_slice %arg4[%add3A_37, %dma_wait3A_42] : memref<4096x1024xf32, #tpu.memory_space<hbm>> -> memref<32x1024xf32, #tpu.memory_space<hbm>>
    %dma_wait3A_44 = arith.constant 0 : i32
    %dma_wait3A_45 = tpu.memref_slice %arg4[%add3A_37, %dma_wait3A_44] : memref<4096x1024xf32, #tpu.memory_space<hbm>> -> memref<32x1024xf32, #tpu.memory_space<hbm>>
    tpu.wait_dma2 semaphore(%arg11 : memref<!tpu.dma_semaphore, #tpu.memory_space<semaphore_mem>>) src(%arg7 : memref<32x1024xf32, #tpu.memory_space<vmem>>) dst(%dma_wait3A_45 : memref<32x1024xf32, #tpu.memory_space<hbm>>)
    %dma_start3A_46 = arith.constant 96 : i32
    %dma_start3A_47 = tpu.memref_slice %arg5[%dma_start3A_46] : memref<128xi32, #tpu.memory_space<vmem>> -> memref<32xi32, #tpu.memory_space<vmem>>
    %dma_start3A_48 = arith.constant 0 : i32
    %dma_start3A_49 = arith.constant 0 : i32
    %dma_start3A_50 = tpu.memref_slice %arg2[%dma_start3A_48, %dma_start3A_49] : memref<50265x1024xf32, #tpu.memory_space<hbm>> -> memref<50265x1024xf32, #tpu.memory_space<hbm>>
    tpu.enqueue_indirect_dma source(%dma_start3A_50 : memref<50265x1024xf32, #tpu.memory_space<hbm>>) target(%arg7 : memref<32x1024xf32, #tpu.memory_space<vmem>>) offsets(%dma_start3A_47 : memref<32xi32, #tpu.memory_space<vmem>>) semaphore(%arg9 : memref<!tpu.dma_semaphore, #tpu.memory_space<semaphore_mem>>)
    %dma_wait3A_51 = arith.constant 64 : i32
    %dma_wait3A_52 = tpu.memref_slice %arg5[%dma_wait3A_51] : memref<128xi32, #tpu.memory_space<vmem>> -> memref<32xi32, #tpu.memory_space<vmem>>
    %dma_wait3A_53 = arith.constant 0 : i32
    %dma_wait3A_54 = arith.constant 0 : i32
    %dma_wait3A_55 = tpu.memref_slice %arg2[%dma_wait3A_53, %dma_wait3A_54] : memref<50265x1024xf32, #tpu.memory_space<hbm>> -> memref<50265x1024xf32, #tpu.memory_space<hbm>>
    tpu.wait_indirect_dma semaphore(%arg8 : memref<!tpu.dma_semaphore, #tpu.memory_space<semaphore_mem>>) src(%dma_wait3A_55 : memref<50265x1024xf32, #tpu.memory_space<hbm>>) dst(%arg6 : memref<32x1024xf32, #tpu.memory_space<vmem>>)
    %add3A_56 = arith.constant 64 : i32
    %add3A_57 = arith.addi %mul3A_2, %add3A_56 : i32
    %dma_start3A_58 = arith.constant 0 : i32
    %dma_start3A_59 = tpu.memref_slice %arg4[%add3A_57, %dma_start3A_58] : memref<4096x1024xf32, #tpu.memory_space<hbm>> -> memref<32x1024xf32, #tpu.memory_space<hbm>>
    %dma_start3A_60 = arith.constant 0 : i32
    %dma_start3A_61 = tpu.memref_slice %arg4[%add3A_57, %dma_start3A_60] : memref<4096x1024xf32, #tpu.memory_space<hbm>> -> memref<32x1024xf32, #tpu.memory_space<hbm>>
    tpu.enqueue_dma source(%arg6 : memref<32x1024xf32, #tpu.memory_space<vmem>>) target(%dma_start3A_61 : memref<32x1024xf32, #tpu.memory_space<hbm>>) target_semaphore(%arg10 : memref<!tpu.dma_semaphore, #tpu.memory_space<semaphore_mem>>)
    %dma_wait3A_62 = arith.constant 96 : i32
    %dma_wait3A_63 = tpu.memref_slice %arg5[%dma_wait3A_62] : memref<128xi32, #tpu.memory_space<vmem>> -> memref<32xi32, #tpu.memory_space<vmem>>
    %dma_wait3A_64 = arith.constant 0 : i32
    %dma_wait3A_65 = arith.constant 0 : i32
    %dma_wait3A_66 = tpu.memref_slice %arg2[%dma_wait3A_64, %dma_wait3A_65] : memref<50265x1024xf32, #tpu.memory_space<hbm>> -> memref<50265x1024xf32, #tpu.memory_space<hbm>>
    tpu.wait_indirect_dma semaphore(%arg9 : memref<!tpu.dma_semaphore, #tpu.memory_space<semaphore_mem>>) src(%dma_wait3A_66 : memref<50265x1024xf32, #tpu.memory_space<hbm>>) dst(%arg7 : memref<32x1024xf32, #tpu.memory_space<vmem>>)
    %add3A_67 = arith.constant 96 : i32
    %add3A_68 = arith.addi %mul3A_2, %add3A_67 : i32
    %dma_start3A_69 = arith.constant 0 : i32
    %dma_start3A_70 = tpu.memref_slice %arg4[%add3A_68, %dma_start3A_69] : memref<4096x1024xf32, #tpu.memory_space<hbm>> -> memref<32x1024xf32, #tpu.memory_space<hbm>>
    %dma_start3A_71 = arith.constant 0 : i32
    %dma_start3A_72 = tpu.memref_slice %arg4[%add3A_68, %dma_start3A_71] : memref<4096x1024xf32, #tpu.memory_space<hbm>> -> memref<32x1024xf32, #tpu.memory_space<hbm>>
    tpu.enqueue_dma source(%arg7 : memref<32x1024xf32, #tpu.memory_space<vmem>>) target(%dma_start3A_72 : memref<32x1024xf32, #tpu.memory_space<hbm>>) target_semaphore(%arg11 : memref<!tpu.dma_semaphore, #tpu.memory_space<semaphore_mem>>)
    %dma_wait3A_73 = arith.constant 0 : i32
    %dma_wait3A_74 = tpu.memref_slice %arg4[%add3A_57, %dma_wait3A_73] : memref<4096x1024xf32, #tpu.memory_space<hbm>> -> memref<32x1024xf32, #tpu.memory_space<hbm>>
    %dma_wait3A_75 = arith.constant 0 : i32
    %dma_wait3A_76 = tpu.memref_slice %arg4[%add3A_57, %dma_wait3A_75] : memref<4096x1024xf32, #tpu.memory_space<hbm>> -> memref<32x1024xf32, #tpu.memory_space<hbm>>
    tpu.wait_dma2 semaphore(%arg10 : memref<!tpu.dma_semaphore, #tpu.memory_space<semaphore_mem>>) src(%arg6 : memref<32x1024xf32, #tpu.memory_space<vmem>>) dst(%dma_wait3A_76 : memref<32x1024xf32, #tpu.memory_space<hbm>>)
    %dma_wait3A_77 = arith.constant 0 : i32
    %dma_wait3A_78 = tpu.memref_slice %arg4[%add3A_68, %dma_wait3A_77] : memref<4096x1024xf32, #tpu.memory_space<hbm>> -> memref<32x1024xf32, #tpu.memory_space<hbm>>
    %dma_wait3A_79 = arith.constant 0 : i32
    %dma_wait3A_80 = tpu.memref_slice %arg4[%add3A_68, %dma_wait3A_79] : memref<4096x1024xf32, #tpu.memory_space<hbm>> -> memref<32x1024xf32, #tpu.memory_space<hbm>>
    tpu.wait_dma2 semaphore(%arg11 : memref<!tpu.dma_semaphore, #tpu.memory_space<semaphore_mem>>) src(%arg7 : memref<32x1024xf32, #tpu.memory_space<vmem>>) dst(%dma_wait3A_80 : memref<32x1024xf32, #tpu.memory_space<hbm>>)
    return
  }
}

module attributes {stable_mosaic.version = 14 : i64} {
  func.func @_tc_body(%arg0: i32, %arg1: i32, %arg2: memref<1x512x1024xbf16, #tpu.memory_space<vmem>>, %arg3: memref<1x1024x1024xf32, #tpu.memory_space<vmem>>, %arg4: memref<1x1024x1024xf32, #tpu.memory_space<vmem>>, %arg5: memref<1x1x1024xf32, #tpu.memory_space<vmem>>, %arg6: memref<16x1024xbf16, #tpu.memory_space<vmem>>, %arg7: memref<1x8x2058xf32, #tpu.memory_space<vmem>>, %arg8: memref<1x512x2058xf32, #tpu.memory_space<vmem>>) attributes {dimension_semantics = [#tpu.dimension_semantics<parallel>, #tpu.dimension_semantics<arbitrary>], iteration_bounds = array<i64: 2, 2>, scalar_prefetch = 0 : i64, scratch_operands = 0 : i64, tpu.core_type = #tpu.core_type<tc>, window_params = [{transform_indices = @transform_0, window_bounds = array<i64: 1, 512, 1024>}, {transform_indices = @transform_1, window_bounds = array<i64: 1, 1024, 1024>}, {transform_indices = @transform_2, window_bounds = array<i64: 1, 1024, 1024>}, {transform_indices = @transform_3, window_bounds = array<i64: 1, 1, 1024>}, {pipeline_mode = #tpu.pipeline_mode<synchronous>, transform_indices = @transform_4, window_bounds = array<i64: 16, 1024>}, {transform_indices = @transform_5, window_bounds = array<i64: 1, 8, 2058>}, {transform_indices = @transform_6, window_bounds = array<i64: 1, 512, 2058>}]} {
    %get3A = arith.constant 0 : index
    %get3A_0 = arith.constant 0 : index
    %get3A_1 = arith.constant 0 : index
    %get3A_2 = vector.load %arg2[%get3A, %get3A_0, %get3A_1] : memref<1x512x1024xbf16, #tpu.memory_space<vmem>>, vector<1x512x1024xbf16>
    %get3A_3 = vector.shape_cast %get3A_2 : vector<1x512x1024xbf16> to vector<512x1024xbf16>
    %get3A_4 = arith.constant 0 : index
    %get3A_5 = arith.constant 0 : index
    %get3A_6 = arith.constant 0 : index
    %get3A_7 = vector.load %arg3[%get3A_4, %get3A_5, %get3A_6] : memref<1x1024x1024xf32, #tpu.memory_space<vmem>>, vector<1x1024x1024xf32>
    %get3A_8 = vector.shape_cast %get3A_7 : vector<1x1024x1024xf32> to vector<1024x1024xf32>
    %get3A_9 = arith.constant 0 : index
    %get3A_10 = arith.constant 0 : index
    %get3A_11 = arith.constant 0 : index
    %get3A_12 = vector.load %arg4[%get3A_9, %get3A_10, %get3A_11] : memref<1x1024x1024xf32, #tpu.memory_space<vmem>>, vector<1x1024x1024xf32>
    %get3A_13 = vector.shape_cast %get3A_12 : vector<1x1024x1024xf32> to vector<1024x1024xf32>
    %add3A = arith.addf %get3A_8, %get3A_13 : vector<1024x1024xf32>
    %convert_element_type3A = arith.truncf %add3A : vector<1024x1024xf32> to vector<1024x1024xbf16>
    %dot_general3A = arith.constant dense<0.000000e+00> : vector<512x1024xf32>
    %dot_general3A_14 = tpu.matmul %get3A_3, %convert_element_type3A, %dot_general3A {dimension_numbers = #tpu.dot_dimension_numbers<[1], [1], [0], [0], [0, 0, 1, 0], [], []>, transpose_lhs_hint = false} : vector<512x1024xbf16>, vector<1024x1024xbf16>, vector<512x1024xf32> -> vector<512x1024xf32>
    %get3A_15 = arith.constant 0 : index
    %get3A_16 = arith.constant 0 : index
    %get3A_17 = arith.constant 0 : index
    %get3A_18 = vector.load %arg5[%get3A_15, %get3A_16, %get3A_17] : memref<1x1x1024xf32, #tpu.memory_space<vmem>>, vector<1x1x1024xf32>
    %get3A_19 = vector.shape_cast %get3A_18 : vector<1x1x1024xf32> to vector<1x1024xf32>
    %gt3A = arith.constant 0.000000e+00 : f32
    %gt3A_20 = vector.broadcast %gt3A : f32 to vector<1x1024xf32>
    %gt3A_21 = arith.cmpf ogt, %get3A_19, %gt3A_20 : vector<1x1024xf32>
    %jit3A = arith.constant -1.000000e+32 : f32
    %broadcast_in_dim3A = vector.shape_cast %gt3A_21 : vector<1x1024xi1> to vector<1x1024xi1>
    %broadcast_in_dim3A_22 = vector.broadcast %broadcast_in_dim3A : vector<1x1024xi1> to vector<512x1024xi1>
    %broadcast_in_dim3A_23 = vector.broadcast %jit3A : f32 to vector<512x1024xf32>
    %select_n3A = arith.select %broadcast_in_dim3A_22, %broadcast_in_dim3A_23, %dot_general3A_14 : vector<512x1024xi1>, vector<512x1024xf32>
    %eq3A = arith.constant 0 : i32
    %eq3A_24 = arith.cmpi eq, %arg1, %eq3A : i32
    %convert_element_type3A_25 = arith.extui %eq3A_24 : i1 to i32
    %cond3A = arith.constant 0 : i32
    %cond3A_26 = arith.cmpi ne, %convert_element_type3A_25, %cond3A : i32
    scf.if %cond3A_26 {
      %get3A_37 = arith.constant 0 : index
      %get3A_38 = arith.constant 0 : index
      %get3A_39 = vector.load %arg6[%get3A_37, %get3A_38] : memref<16x1024xbf16, #tpu.memory_space<vmem>>, vector<16x1024xbf16>
      %dot_general3A_40 = arith.constant dense<0.000000e+00> : vector<512x16xf32>
      %dot_general3A_41 = tpu.matmul %get3A_3, %get3A_39, %dot_general3A_40 {dimension_numbers = #tpu.dot_dimension_numbers<[1], [1], [0], [0], [0, 0, 1, 0], [], []>, transpose_lhs_hint = false} : vector<512x1024xbf16>, vector<16x1024xbf16>, vector<512x16xf32> -> vector<512x16xf32>
      %iota3A = tpu.iota {dimensions = array<i32: 1>} : vector<512x16xi32>
      %eq3A_42 = arith.constant 0 : i32
      %eq3A_43 = vector.broadcast %eq3A_42 : i32 to vector<512x16xi32>
      %eq3A_44 = arith.cmpi eq, %iota3A, %eq3A_43 : vector<512x16xi32>
      %jit3A_45 = arith.constant -1.000000e+24 : f32
      %broadcast_in_dim3A_46 = vector.broadcast %jit3A_45 : f32 to vector<512x16xf32>
      %select_n3A_47 = arith.select %eq3A_44, %broadcast_in_dim3A_46, %dot_general3A_41 : vector<512x16xi1>, vector<512x16xf32>
      %swap3A = arith.constant 0 : index
      %swap3A_48 = arith.constant 0 : index
      %swap3A_49 = arith.constant 0 : index
      %swap3A_50 = vector.load %arg8[%swap3A, %swap3A_48, %swap3A_49] : memref<1x512x2058xf32, #tpu.memory_space<vmem>>, vector<1x512x16xf32>
      %swap3A_51 = vector.shape_cast %swap3A_50 : vector<1x512x16xf32> to vector<512x16xf32>
      %swap3A_52 = vector.shape_cast %select_n3A_47 : vector<512x16xf32> to vector<1x512x16xf32>
      tpu.vector_store %arg8[%swap3A, %swap3A_48, %swap3A_49], %swap3A_52 {strides = array<i32>} : memref<1x512x2058xf32, #tpu.memory_space<vmem>>, vector<1x512x16xf32>,
    } else {
    }
    %eq3A_27 = arith.constant 0 : i32
    %eq3A_28 = arith.cmpi eq, %arg1, %eq3A_27 : i32
    %convert_element_type3A_29 = arith.extui %eq3A_28 : i1 to i32
    %cond3A_30 = arith.constant 0 : i32
    %cond3A_31 = arith.cmpi ne, %convert_element_type3A_29, %cond3A_30 : i32
    scf.if %cond3A_31 {
      %swap3A = arith.constant 0 : index
      %swap3A_37 = arith.constant 0 : index
      %swap3A_38 = arith.constant 10 : index
      %swap3A_39 = vector.load %arg8[%swap3A, %swap3A_37, %swap3A_38] : memref<1x512x2058xf32, #tpu.memory_space<vmem>>, vector<1x512x1024xf32>
      %swap3A_40 = vector.shape_cast %swap3A_39 : vector<1x512x1024xf32> to vector<512x1024xf32>
      %swap3A_41 = vector.shape_cast %select_n3A : vector<512x1024xf32> to vector<1x512x1024xf32>
      tpu.vector_store %arg8[%swap3A, %swap3A_37, %swap3A_38], %swap3A_41 {strides = array<i32>} : memref<1x512x2058xf32, #tpu.memory_space<vmem>>, vector<1x512x1024xf32>,
    } else {
    }
    %eq3A_32 = arith.constant 1 : i32
    %eq3A_33 = arith.cmpi eq, %arg1, %eq3A_32 : i32
    %convert_element_type3A_34 = arith.extui %eq3A_33 : i1 to i32
    %cond3A_35 = arith.constant 0 : i32
    %cond3A_36 = arith.cmpi ne, %convert_element_type3A_34, %cond3A_35 : i32
    scf.if %cond3A_36 {
      %swap3A = arith.constant 0 : index
      %swap3A_37 = arith.constant 0 : index
      %swap3A_38 = arith.constant 1034 : index
      %swap3A_39 = vector.load %arg8[%swap3A, %swap3A_37, %swap3A_38] : memref<1x512x2058xf32, #tpu.memory_space<vmem>>, vector<1x512x1024xf32>
      %swap3A_40 = vector.shape_cast %swap3A_39 : vector<1x512x1024xf32> to vector<512x1024xf32>
      %swap3A_41 = vector.shape_cast %select_n3A : vector<512x1024xf32> to vector<1x512x1024xf32>
      tpu.vector_store %arg8[%swap3A, %swap3A_37, %swap3A_38], %swap3A_41 {strides = array<i32>} : memref<1x512x2058xf32, #tpu.memory_space<vmem>>, vector<1x512x1024xf32>,
    } else {
    }
    return
  }
  func.func @transform_0(%arg0: i32, %arg1: i32) -> (i32, i32, i32) {
    %add3A = arith.constant 2 : i32
    %add3A_0 = arith.addi %arg0, %add3A : i32
    %c0_i32 = arith.constant 0 : i32
    %c0_i32_1 = arith.constant 0 : i32
    %c0_i32_2 = arith.constant 0 : i32
    return %add3A_0, %c0_i32, %c0_i32_1 : i32, i32, i32
  }
  func.func @transform_1(%arg0: i32, %arg1: i32) -> (i32, i32, i32) {
    %c0_i32 = arith.constant 0 : i32
    %c0_i32_0 = arith.constant 0 : i32
    return %arg0, %arg1, %c0_i32 : i32, i32, i32
  }
  func.func @transform_2(%arg0: i32, %arg1: i32) -> (i32, i32, i32) {
    %add3A = arith.constant 2 : i32
    %add3A_0 = arith.addi %arg0, %add3A : i32
    %c0_i32 = arith.constant 0 : i32
    %c0_i32_1 = arith.constant 0 : i32
    return %add3A_0, %arg1, %c0_i32 : i32, i32, i32
  }
  func.func @transform_3(%arg0: i32, %arg1: i32) -> (i32, i32, i32) {
    %add3A = arith.constant 2 : i32
    %add3A_0 = arith.addi %arg0, %add3A : i32
    %c0_i32 = arith.constant 0 : i32
    %c0_i32_1 = arith.constant 0 : i32
    return %add3A_0, %c0_i32, %arg1 : i32, i32, i32
  }
  func.func @transform_4(%arg0: i32, %arg1: i32) -> (i32, i32) {
    %c0_i32 = arith.constant 0 : i32
    %c0_i32_0 = arith.constant 0 : i32
    %c0_i32_1 = arith.constant 0 : i32
    return %c0_i32, %c0_i32_0 : i32, i32
  }
  func.func @transform_5(%arg0: i32, %arg1: i32) -> (i32, i32, i32) {
    %c0_i32 = arith.constant 0 : i32
    %c0_i32_0 = arith.constant 0 : i32
    %c0_i32_1 = arith.constant 0 : i32
    %c0_i32_2 = arith.constant 0 : i32
    return %c0_i32, %c0_i32_0, %c0_i32_1 : i32, i32, i32
  }
  func.func @transform_6(%arg0: i32, %arg1: i32) -> (i32, i32, i32) {
    %add3A = arith.constant 2 : i32
    %add3A_0 = arith.addi %arg0, %add3A : i32
    %c0_i32 = arith.constant 0 : i32
    %c0_i32_1 = arith.constant 0 : i32
    %c0_i32_2 = arith.constant 0 : i32
    return %add3A_0, %c0_i32, %c0_i32_1 : i32, i32, i32
  }
}

module attributes {stable_mosaic.version = 14 : i64} {
  func.func @_tc_body(%arg0: i32, %arg1: i32, %arg2: memref<1x512x1024xbf16, #tpu.memory_space<vmem>>, %arg3: memref<1x1024x1024xf32, #tpu.memory_space<vmem>>, %arg4: memref<1x1024x1024xf32, #tpu.memory_space<vmem>>, %arg5: memref<1x1x1024xf32, #tpu.memory_space<vmem>>, %arg6: memref<16x1024xbf16, #tpu.memory_space<vmem>>, %arg7: memref<1x512x2058xf32, #tpu.memory_space<vmem>>) attributes {dimension_semantics = [#tpu.dimension_semantics<parallel>, #tpu.dimension_semantics<arbitrary>], iteration_bounds = array<i64: 2, 2>, scalar_prefetch = 0 : i64, scratch_operands = 0 : i64, tpu.core_type = #tpu.core_type<tc>, window_params = [{transform_indices = @transform_0, window_bounds = array<i64: 1, 512, 1024>}, {transform_indices = @transform_1, window_bounds = array<i64: 1, 1024, 1024>}, {transform_indices = @transform_2, window_bounds = array<i64: 1, 1024, 1024>}, {transform_indices = @transform_3, window_bounds = array<i64: 1, 1, 1024>}, {pipeline_mode = #tpu.pipeline_mode<synchronous>, transform_indices = @transform_4, window_bounds = array<i64: 16, 1024>}, {transform_indices = @transform_5, window_bounds = array<i64: 1, 512, 2058>}]} {
    %get3A = arith.constant 0 : index
    %get3A_0 = arith.constant 0 : index
    %get3A_1 = arith.constant 0 : index
    %get3A_2 = vector.load %arg2[%get3A, %get3A_0, %get3A_1] : memref<1x512x1024xbf16, #tpu.memory_space<vmem>>, vector<1x512x1024xbf16>
    %get3A_3 = vector.shape_cast %get3A_2 : vector<1x512x1024xbf16> to vector<512x1024xbf16>
    %get3A_4 = arith.constant 0 : index
    %get3A_5 = arith.constant 0 : index
    %get3A_6 = arith.constant 0 : index
    %get3A_7 = vector.load %arg3[%get3A_4, %get3A_5, %get3A_6] : memref<1x1024x1024xf32, #tpu.memory_space<vmem>>, vector<1x1024x1024xf32>
    %get3A_8 = vector.shape_cast %get3A_7 : vector<1x1024x1024xf32> to vector<1024x1024xf32>
    %get3A_9 = arith.constant 0 : index
    %get3A_10 = arith.constant 0 : index
    %get3A_11 = arith.constant 0 : index
    %get3A_12 = vector.load %arg4[%get3A_9, %get3A_10, %get3A_11] : memref<1x1024x1024xf32, #tpu.memory_space<vmem>>, vector<1x1024x1024xf32>
    %get3A_13 = vector.shape_cast %get3A_12 : vector<1x1024x1024xf32> to vector<1024x1024xf32>
    %add3A = arith.addf %get3A_8, %get3A_13 : vector<1024x1024xf32>
    %convert_element_type3A = arith.truncf %add3A : vector<1024x1024xf32> to vector<1024x1024xbf16>
    %dot_general3A = arith.constant dense<0.000000e+00> : vector<512x1024xf32>
    %dot_general3A_14 = tpu.matmul %get3A_3, %convert_element_type3A, %dot_general3A {dimension_numbers = #tpu.dot_dimension_numbers<[1], [1], [0], [0], [0, 0, 1, 0], [], []>, transpose_lhs_hint = false} : vector<512x1024xbf16>, vector<1024x1024xbf16>, vector<512x1024xf32> -> vector<512x1024xf32>
    %get3A_15 = arith.constant 0 : index
    %get3A_16 = arith.constant 0 : index
    %get3A_17 = arith.constant 0 : index
    %get3A_18 = vector.load %arg5[%get3A_15, %get3A_16, %get3A_17] : memref<1x1x1024xf32, #tpu.memory_space<vmem>>, vector<1x1x1024xf32>
    %get3A_19 = vector.shape_cast %get3A_18 : vector<1x1x1024xf32> to vector<1x1024xf32>
    %gt3A = arith.constant 0.000000e+00 : f32
    %gt3A_20 = vector.broadcast %gt3A : f32 to vector<1x1024xf32>
    %gt3A_21 = arith.cmpf ogt, %get3A_19, %gt3A_20 : vector<1x1024xf32>
    %jit3A = arith.constant -1.000000e+32 : f32
    %broadcast_in_dim3A = vector.shape_cast %gt3A_21 : vector<1x1024xi1> to vector<1x1024xi1>
    %broadcast_in_dim3A_22 = vector.broadcast %broadcast_in_dim3A : vector<1x1024xi1> to vector<512x1024xi1>
    %broadcast_in_dim3A_23 = vector.broadcast %jit3A : f32 to vector<512x1024xf32>
    %select_n3A = arith.select %broadcast_in_dim3A_22, %broadcast_in_dim3A_23, %dot_general3A_14 : vector<512x1024xi1>, vector<512x1024xf32>
    %eq3A = arith.constant 0 : i32
    %eq3A_24 = arith.cmpi eq, %arg1, %eq3A : i32
    %convert_element_type3A_25 = arith.extui %eq3A_24 : i1 to i32
    %cond3A = arith.constant 0 : i32
    %cond3A_26 = arith.cmpi ne, %convert_element_type3A_25, %cond3A : i32
    scf.if %cond3A_26 {
      %get3A_37 = arith.constant 0 : index
      %get3A_38 = arith.constant 0 : index
      %get3A_39 = vector.load %arg6[%get3A_37, %get3A_38] : memref<16x1024xbf16, #tpu.memory_space<vmem>>, vector<16x1024xbf16>
      %dot_general3A_40 = arith.constant dense<0.000000e+00> : vector<512x16xf32>
      %dot_general3A_41 = tpu.matmul %get3A_3, %get3A_39, %dot_general3A_40 {dimension_numbers = #tpu.dot_dimension_numbers<[1], [1], [0], [0], [0, 0, 1, 0], [], []>, transpose_lhs_hint = false} : vector<512x1024xbf16>, vector<16x1024xbf16>, vector<512x16xf32> -> vector<512x16xf32>
      %iota3A = tpu.iota {dimensions = array<i32: 1>} : vector<512x16xi32>
      %eq3A_42 = arith.constant 0 : i32
      %eq3A_43 = vector.broadcast %eq3A_42 : i32 to vector<512x16xi32>
      %eq3A_44 = arith.cmpi eq, %iota3A, %eq3A_43 : vector<512x16xi32>
      %jit3A_45 = arith.constant -1.000000e+24 : f32
      %broadcast_in_dim3A_46 = vector.broadcast %jit3A_45 : f32 to vector<512x16xf32>
      %select_n3A_47 = arith.select %eq3A_44, %broadcast_in_dim3A_46, %dot_general3A_41 : vector<512x16xi1>, vector<512x16xf32>
      %swap3A = arith.constant 0 : index
      %swap3A_48 = arith.constant 0 : index
      %swap3A_49 = arith.constant 0 : index
      %swap3A_50 = vector.load %arg7[%swap3A, %swap3A_48, %swap3A_49] : memref<1x512x2058xf32, #tpu.memory_space<vmem>>, vector<1x512x16xf32>
      %swap3A_51 = vector.shape_cast %swap3A_50 : vector<1x512x16xf32> to vector<512x16xf32>
      %swap3A_52 = vector.shape_cast %select_n3A_47 : vector<512x16xf32> to vector<1x512x16xf32>
      tpu.vector_store %arg7[%swap3A, %swap3A_48, %swap3A_49], %swap3A_52 {strides = array<i32>} : memref<1x512x2058xf32, #tpu.memory_space<vmem>>, vector<1x512x16xf32>,
    } else {
    }
    %eq3A_27 = arith.constant 0 : i32
    %eq3A_28 = arith.cmpi eq, %arg1, %eq3A_27 : i32
    %convert_element_type3A_29 = arith.extui %eq3A_28 : i1 to i32
    %cond3A_30 = arith.constant 0 : i32
    %cond3A_31 = arith.cmpi ne, %convert_element_type3A_29, %cond3A_30 : i32
    scf.if %cond3A_31 {
      %swap3A = arith.constant 0 : index
      %swap3A_37 = arith.constant 0 : index
      %swap3A_38 = arith.constant 10 : index
      %swap3A_39 = vector.load %arg7[%swap3A, %swap3A_37, %swap3A_38] : memref<1x512x2058xf32, #tpu.memory_space<vmem>>, vector<1x512x1024xf32>
      %swap3A_40 = vector.shape_cast %swap3A_39 : vector<1x512x1024xf32> to vector<512x1024xf32>
      %swap3A_41 = vector.shape_cast %select_n3A : vector<512x1024xf32> to vector<1x512x1024xf32>
      tpu.vector_store %arg7[%swap3A, %swap3A_37, %swap3A_38], %swap3A_41 {strides = array<i32>} : memref<1x512x2058xf32, #tpu.memory_space<vmem>>, vector<1x512x1024xf32>,
    } else {
    }
    %eq3A_32 = arith.constant 1 : i32
    %eq3A_33 = arith.cmpi eq, %arg1, %eq3A_32 : i32
    %convert_element_type3A_34 = arith.extui %eq3A_33 : i1 to i32
    %cond3A_35 = arith.constant 0 : i32
    %cond3A_36 = arith.cmpi ne, %convert_element_type3A_34, %cond3A_35 : i32
    scf.if %cond3A_36 {
      %swap3A = arith.constant 0 : index
      %swap3A_37 = arith.constant 0 : index
      %swap3A_38 = arith.constant 1034 : index
      %swap3A_39 = vector.load %arg7[%swap3A, %swap3A_37, %swap3A_38] : memref<1x512x2058xf32, #tpu.memory_space<vmem>>, vector<1x512x1024xf32>
      %swap3A_40 = vector.shape_cast %swap3A_39 : vector<1x512x1024xf32> to vector<512x1024xf32>
      %swap3A_41 = vector.shape_cast %select_n3A : vector<512x1024xf32> to vector<1x512x1024xf32>
      tpu.vector_store %arg7[%swap3A, %swap3A_37, %swap3A_38], %swap3A_41 {strides = array<i32>} : memref<1x512x2058xf32, #tpu.memory_space<vmem>>, vector<1x512x1024xf32>,
    } else {
    }
    return
  }
  func.func @transform_0(%arg0: i32, %arg1: i32) -> (i32, i32, i32) {
    %add3A = arith.constant 0 : i32
    %add3A_0 = arith.addi %arg0, %add3A : i32
    %c0_i32 = arith.constant 0 : i32
    %c0_i32_1 = arith.constant 0 : i32
    %c0_i32_2 = arith.constant 0 : i32
    return %add3A_0, %c0_i32, %c0_i32_1 : i32, i32, i32
  }
  func.func @transform_1(%arg0: i32, %arg1: i32) -> (i32, i32, i32) {
    %c0_i32 = arith.constant 0 : i32
    %c0_i32_0 = arith.constant 0 : i32
    return %arg0, %arg1, %c0_i32 : i32, i32, i32
  }
  func.func @transform_2(%arg0: i32, %arg1: i32) -> (i32, i32, i32) {
    %add3A = arith.constant 0 : i32
    %add3A_0 = arith.addi %arg0, %add3A : i32
    %c0_i32 = arith.constant 0 : i32
    %c0_i32_1 = arith.constant 0 : i32
    return %add3A_0, %arg1, %c0_i32 : i32, i32, i32
  }
  func.func @transform_3(%arg0: i32, %arg1: i32) -> (i32, i32, i32) {
    %add3A = arith.constant 0 : i32
    %add3A_0 = arith.addi %arg0, %add3A : i32
    %c0_i32 = arith.constant 0 : i32
    %c0_i32_1 = arith.constant 0 : i32
    return %add3A_0, %c0_i32, %arg1 : i32, i32, i32
  }
  func.func @transform_4(%arg0: i32, %arg1: i32) -> (i32, i32) {
    %c0_i32 = arith.constant 0 : i32
    %c0_i32_0 = arith.constant 0 : i32
    %c0_i32_1 = arith.constant 0 : i32
    return %c0_i32, %c0_i32_0 : i32, i32
  }
  func.func @transform_5(%arg0: i32, %arg1: i32) -> (i32, i32, i32) {
    %add3A = arith.constant 0 : i32
    %add3A_0 = arith.addi %arg0, %add3A : i32
    %c0_i32 = arith.constant 0 : i32
    %c0_i32_1 = arith.constant 0 : i32
    %c0_i32_2 = arith.constant 0 : i32
    return %add3A_0, %c0_i32, %c0_i32_1 : i32, i32, i32
  }
}

</mosaic_0001>

<sc_bundles>
// kernel: kernel.6.cloned.1.call-start
scs
__scs_entry_jumppad:
0x0: {  	(pc) =	sbr.rel $0x88, $3  }
0x1: {  	(tag) =	ssettag $0x0;
	lr =	simm.s32 $0x1  }
0x2: {  	[smem:$0x3F9C] =	sst lr;
	_ =	strace $0xD0000000  }
0x3: {  	_ = 	snop  }
0x4: {  	_ = 	snop  }
0x5: {  	_ = 	snop  }
0x6: {  	_ = 	snop  }
0x7: {  	_ = 	snop  }
__scs_overlays_trampoline_lowered:
0x8: {  	[smem:$0x3FAB] =	sst s0  }
0x9: {  	[smem:$0x3FAC] =	sst s1  }
0xa: {  	[smem:$0x3FAD] =	sst s2  }
0xb: {  	[smem:$0x3FAE] =	sst s3  }
0xc: {  	[smem:$0x3FAF] =	sst s4  }
0xd: {  	[smem:$0x3FB0] =	sst s5  }
0xe: {  	[smem:$0x3FB1] =	sst s6  }
0xf: {  	[smem:$0x3FB2] =	sst s7  }
0x10: {  	[smem:$0x3FB3] =	sst s8  }
0x11: {  	[smem:$0x3FB4] =	sst s9;
	s0 =	simm.s32 @!p0 $0x0  }
0x12: {  	s1 =	sld [smem:$0x3F9A];
	s0 =	simm.s32 @p0 $0x1  }
0x13: {  	[smem:$0x3FB5] =	sst s0;
	s0 =	simm.s32 @!p1 $0x0  }
0x14: {  	s2 =	sld [smem:$0x3F99];
	s0 =	simm.s32 @p1 $0x1  }
0x15: {  	[smem:$0x3FB6] =	sst s0;
	s0 =	simm.s32 @!p2 $0x0  }
0x16: {  	s3 =	sld [smem:$0x3FDB];
	s0 =	simm.s32 @p2 $0x1  }
0x17: {  	s4 =	simm.s32 $0x1BF5;
	[smem:$0x3FB8] =	sst s0  }
0x18: {  	s0 =	sld [smem:$0x3F9B];
	_ =	swait.ge [sflag:s4], $0x0  }
0x19: {  	s7 =	sld [smem:$0x3F9C]  }
0x1a: {  	s8 =	sadd.s32 $0xFFFFE003, lr  }
0x1b: {  	s9 =	sadd.s32 $0xFFFFFEF7, lr;
	s5 =	simm.s32 $0xFFFFFFFF;
	p2 =	slt.u32 s8, $0xFFFFF086  }
0x1c: {  	p1 =	slt.u32 s9, $0xF7A;
	s5 =	simm.s32 @!p2 $0x0  }
0x1d: {  	s5 =	simm.s32 @p1 $0x1;
	p0 =	seq.s32 s7, s2  }
0x1e: {  	s7 =	smul.u32 @!p0 $0xF7A, s2;
	p2 =	seq.s32 @!p0 s5, $0x0  }
0x1f: {  	s9 =	smul.u32 $0xF7A, s1;
	s8 =	simm.s32 @!p0 $0x1BF5;
	p2 =	por !p2, p0  }
0x20: {  	[sflag:s8] =	ssyncset.s32 @!p0 $0xFFFFF086;
	s6 =	sadd.s32 @!p0 s3, s7;
	s7 =	simm.s32 @!p0 $0x108  }
0x21: {  	s3 =	sadd.s32 s3, s9;
	s6 =	sadd.s32 @!p0 $0x88, s6;
	s7 =	simm.s32 @p2 $0x1082  }
0x22: {  	[simem:s7], [sflag:s8] =	dma.local @!p0 [hbm:s6], $0xF7A  }
0x23: {  	s9 =	sor.u32 $0xD0000000, s2;
	s6 =	simm.s32 $0x108;
	_ =	swait.ge @!p0 [sflag:s8], $0x0  }
0x24: {  	s3 =	sadd.s32 $0x88, s3;
	s6 =	simm.s32 @!p1 $0x1082;
	[sflag:s4] =	ssyncset.s32 $0xFFFFF086  }
0x25: {  	[simem:s6], [sflag:s4] =	dma.local [hbm:s3], $0xF7A  }
0x26: {  	[smem:$0x3F9C] =	sst s1;
	(tag) =	ssettag s2;
	_ =	strace s9  }
0x27: {  	s1 =	sld [smem:$0x3FAC]  }
0x28: {  	s2 =	sld [smem:$0x3FAD]  }
0x29: {  	s4 =	sld [smem:$0x3FAF]  }
0x2a: {  	p0 =	seq.s32 s5, $0x0;
	s5 =	sld [smem:$0x3FB0]  }
0x2b: {  	s6 =	sld [smem:$0x3FB1]  }
0x2c: {  	s7 =	sld [smem:$0x3FB2]  }
0x2d: {  	s3 =	simm.s32 $0x108;
	s8 =	sld [smem:$0x3FB3]  }
0x2e: {  	s3 =	simm.s32 @!p0 $0x1082;
	s9 =	sld [smem:$0x3FB4]  }
0x2f: {  	lr =	sadd.s32 s0, s3;
	s0 =	sld [smem:$0x3FAB]  }
0x30: {  	s3 =	sld [smem:$0x3FAE]  }
0x31: {  	[smem:$0x3FB7] =	sst s10  }
0x32: {  	s10 =	sld [smem:$0x3FB5];
	_ =	sdelay $0x3  }
0x33: {  	p0 =	seq.s32 s10, $0x1;
	s10 =	sld [smem:$0x3FB7];
	_ =	sdelay $0x3  }
0x34: {  	[smem:$0x3FB7] =	sst s10  }
0x35: {  	s10 =	sld [smem:$0x3FB6];
	_ =	sdelay $0x3  }
0x36: {  	p1 =	seq.s32 s10, $0x1;
	s10 =	sld [smem:$0x3FB7];
	_ =	sdelay $0x3  }
0x37: {  	[smem:$0x3FB7] =	sst s10  }
0x38: {  	s10 =	sld [smem:$0x3FB8]  }
0x39: {  	_ = 	snop;
	(pc) =	sbr.ind lr, $3  }
0x3a: {  	_ = 	snop  }
0x3b: {  	_ = 	snop  }
0x3c: {  	p2 =	seq.s32 s10, $0x1;
	s10 =	sld [smem:$0x3FB7]  }
0x3d: {  	_ =	shalt  }
0x3e: {  	_ =	shalt  }
0x3f: {  	_ =	shalt  }
0x40: {  	_ =	shalt  }
0x41: {  	_ =	shalt  }
0x42: {  	_ =	shalt  }
0x43: {  	_ =	shalt  }
0x44: {  	_ =	shalt  }
0x45: {  	_ =	shalt  }
0x46: {  	_ =	shalt  }
0x47: {  	_ =	shalt  }
0x48: {  	_ =	shalt  }
0x49: {  	_ =	shalt  }
0x4a: {  	_ =	shalt  }
0x4b: {  	_ =	shalt  }
0x4c: {  	_ =	shalt  }
0x4d: {  	_ =	shalt  }
0x4e: {  	_ =	shalt  }
0x4f: {  	_ =	shalt  }
0x50: {  	_ =	shalt  }
0x51: {  	_ =	shalt  }
0x52: {  	_ =	shalt  }
0x53: {  	_ =	shalt  }
0x54: {  	_ =	shalt  }
0x55: {  	_ =	shalt  }
0x56: {  	_ =	shalt  }
0x57: {  	_ =	shalt  }
0x58: {  	_ =	shalt  }
0x59: {  	_ =	shalt  }
0x5a: {  	_ =	shalt  }
0x5b: {  	_ =	shalt  }
0x5c: {  	_ =	shalt  }
0x5d: {  	_ =	shalt  }
0x5e: {  	_ =	shalt  }
0x5f: {  	_ =	shalt  }
0x60: {  	_ =	shalt  }
0x61: {  	_ =	shalt  }
0x62: {  	_ =	shalt  }
0x63: {  	_ =	shalt  }
0x64: {  	_ =	shalt  }
0x65: {  	_ =	shalt  }
0x66: {  	_ =	shalt  }
0x67: {  	_ =	shalt  }
0x68: {  	_ =	shalt  }
0x69: {  	_ =	shalt  }
0x6a: {  	_ =	shalt  }
0x6b: {  	_ =	shalt  }
0x6c: {  	_ =	shalt  }
0x6d: {  	_ =	shalt  }
0x6e: {  	_ =	shalt  }
0x6f: {  	_ =	shalt  }
0x70: {  	_ =	shalt  }
0x71: {  	_ =	shalt  }
0x72: {  	_ =	shalt  }
0x73: {  	_ =	shalt  }
0x74: {  	_ =	shalt  }
0x75: {  	_ =	shalt  }
0x76: {  	_ =	shalt  }
0x77: {  	_ =	shalt  }
0x78: {  	_ =	shalt  }
0x79: {  	_ =	shalt  }
0x7a: {  	_ =	shalt  }
0x7b: {  	_ =	shalt  }
0x7c: {  	_ =	shalt  }
0x7d: {  	_ =	shalt  }
0x7e: {  	_ =	shalt  }
0x7f: {  	_ =	shalt  }
0x80: {  	_ =	shalt  }
0x81: {  	_ =	shalt  }
0x82: {  	_ =	shalt  }
0x83: {  	_ =	shalt  }
0x84: {  	_ =	shalt  }
0x85: {  	_ =	shalt  }
0x86: {  	_ =	shalt  }
0x87: {  	_ =	shalt  }
.Lfunc_end0:
.L_simem_size_0:
called_computation_lowered:
.L_overlay_start_0:
0x88: {  	s2 =	sld [smem:$0x3FD9]  }
0x89: {  	s3 =	sld [smem:$0x3FFE];
	_ =	sdelay $0x1  }
0x8a: {  	s1 =	srdreg.scid  }
0x8b: {  	s0 =	sand.u32 $0x1, s1  }
0x8c: {  	s17 =	sshll.u32 s0, $0xA;
	s2 =	sadd.s32 s3, s2  }
0x8d: {  	s2 =	sadd.s32 s2, s17  }
0x8e: {  	[smem:$0x3FC3] =	sst s2  }
0x8f: {  	_ = 	snop  }
0x90: {  	s2 =	sld [smem:$0x3FC5];
	(tm) =	ssettm $0x1  }
0x91: {  	s18 =	sld [smem:$0x3FFB];
	_ =	sdelay $0x3  }
0x92: {  	_ =	strace s18  }
0x93: {  	s3 =	sld [smem:$0x3FFC];
	_ =	sdelay $0x3  }
0x94: {  	_ =	strace s3  }
0x95: {  	s3 =	sld [smem:$0x3FFD];
	_ =	sdelay $0x3  }
0x96: {  	_ =	strace s3  }
0x97: {  	_ =	strace $0x8FFFFFFF  }
0x98: {  	s19 =	sld [smem:$0x3FDB];
	_ =	sdelay $0x1  }
0x99: {  	s4 =	simm.s32 $_scs_section_size  }
0x9a: {  	s5 =	simm.s32 $_size__tile_overlayer_lowered;
	s6 =	simm.s32 $_tile_overlayer_lowered  }
0x9b: {  	s22 =	simm.s32 $0x1BFF;
	s21 =	sshll.u32 s6, $0x1;
	s3 =	sadd.s32 s4, s19  }
0x9c: {  	s7 =	simm.s32 $0x0;
	s20 =	sshll.u32 s5, $0x1;
	s5 =	sadd.s32 s21, s3  }
0x9d: {  	[timem:s7], [sflag:s22] =	dma.local [hbm:s5], s20  }
0x9e: {  	_ =	swait.ge [sflag:s22], s20  }
0x9f: {  	s4 =	ssub.s32 $0x0, s20;
	[sflag:s22] =	ssyncset.done $0x0  }
0xa0: {  	[sflag:s22] =	ssyncadd.s32 s4;
	_ =	sdelay $0x1  }
0xa1: {  	s23 =	simm.s32 $0x1B8B  }
0xa2: {  	_ =	swait.ge [sflag:s23], $0x1  }
0xa3: {  	[sflag:s23] =	ssyncset.done $0x0  }
0xa4: {  	s25 =	simm.s32 $0x1B8E;
	s24 =	sld [smem:$0x3FFE];
	[sflag:s23] =	ssyncadd.s32 $0xFFFFFFFF  }
0xa5: {  	s26 =	simm.s32 $execute0_lowered;
	[smem:$0x3FD2] =	sst s25  }
0xa6: {  	s5 =	sshll.u32 s26, $0x1;
	_ =	strace $0x80000046;
	[dreg:$0x1] =	wrdreg $0xFFFFFFFF  }
0xa7: {  	s28 =	simm.s32 $_size_execute0_lowered;
	s3 =	sadd.s32 s3, s5;
	[dreg:$0x0] =	wrdreg $0x0  }
0xa8: {  	s5 =	sshll.u32 s28, $0x1;
	[dreg:$0x2] =	wrdreg s3  }
0xa9: {  	[dreg:$0x3] =	wrdreg s5  }
0xaa: {  	[dreg:$0x4] =	wrdreg $0xC0  }
0xab: {  	_ =	task [dreg:s7], $0x5FFFF  }
0xac: {  	[dreg:$0x1] =	wrdreg $0xFFFFFFFF  }
0xad: {  	[dreg:$0x0] =	wrdreg $0x60  }
0xae: {  	[dreg:$0x2] =	wrdreg s2  }
0xaf: {  	[dreg:$0x3] =	wrdreg s24  }
0xb0: {  	[dreg:$0x4] =	wrdreg $0x9  }
0xb1: {  	_ =	task.clear_ibuf [dreg:s7], $0x5FFFF;
	_ =	strace $0x90000046  }
0xb2: {  	s29 =	simm.s32 $0x9;
	_ =	strace $0x80000048  }
0xb3: {  	_ =	swait.ge [sflag:s29], $0x1  }
0xb4: {  	[sflag:s29] =	ssyncadd.s32 $0xFFFFFFFF  }
0xb5: {  	_ =	strace $0x90000048  }
0xb6: {  	_ =	sfence  }
0xb7: {  	s30 =	sld [smem:$0x0];
	_ =	sdelay $0x2  }
0xb8: {  	s31 =	sshll.u32 s1, $0xD;
	s1 =	sshrl.u32 s1, $0x2  }
0xb9: {  	s3 =	sand.u32 $0x4000, s31;
	s1 =	sadd.s32 s1, s30  }
0xba: {  	s0 =	sor.u32 s3, s0;
	s1 =	sshll.u32 s1, $0x11  }
0xbb: {  	s0 =	sor.u32 s1, s0  }
0xbc: {  	s0 =	sadd.s32 $0x8F2B, s0  }
0xbd: {  	[sflag:s0] =	ssyncadd.remote.s32 $0x1  }
0xbe: {  	_ =	sfence.sel $0xFFFF  }
0xbf: {  	[dreg:$0x0] =	wrdreg $0xFFFFFFFF;
	(pc) =	sbr.abs _section_cstart, $3  }
0xc0: {  	[dreg:$0x1] =	wrdreg $0xFFFFFFFF  }
0xc1: {  	_ =	task.clear_ibuf [dreg:s7], $0x2FFFF;
	_ =	strace $0x9FFFFFFF  }
0xc2: {  	(tm) =	ssettm $0x7FFFFFFF  }
0xc3: {  	_ =	shalt  }
tec
execute0_lowered:
.L_overlay_start_1:
0x0: {  	(tag) =	ssettag $0x1  }
0x1: {  	s2 =	rddreg [dreg:$0x0]  }
0x2: {  	s0 =	rddreg [dreg:$0x1];
	s1 =	srdreg.scid  }
0x3: {  	s4 =	stileid.u32;
	s3 =	simm.s32 $0x0;
	s8 =	simm.s32 $0x1  }
0x4: {  	s19 =	simm.s32 $0x3;
	s20 =	simm.s32 $0x2;
	s21 =	simm.s32 $0x4  }
0x5: {  	s23 =	simm.s32 $0x880;
	s24 =	simm.s32 $0x1080;
	s28 =	simm.s32 $0x2080  }
0x6: {  	s29 =	simm.s32 $0x2880;
	s30 =	simm.s32 $0x3080;
	s31 =	simm.s32 $0x3880  }
0x7: {  	s10 =	simm.s32 $0x5080;
	s11 =	simm.s32 $0x5880;
	s12 =	simm.s32 $0x6080  }
0x8: {  	s13 =	simm.s32 $0x6880;
	s14 =	simm.s32 $0x7080;
	s1 =	sand.u32 $0x1, s1  }
0x9: {  	s15 =	simm.s32 $0x7880;
	s4 =	sshll.u32 s4, $0x8;
	s5 =	sshll.u32 s1, $0x7  }
0xa: {  	s18 =	simm.s32 $0x8080;
	s16 =	simm.s32 $0x8880;
	s4 =	sor.u32 s5, s4  }
0xb: {  	s17 =	simm.s32 $0x9080;
	[smem:$0x7FF] =	sst s3;
	s5 =	sshrl.u32 s4, $0x3  }
0xc: {  	_ =	strace $0x80000047;
	s4 =	sshll.u32 s4, $0x7;
	s5 =	sadd.s32 s5, s0  }
0xd: {  	s1 =	ssub.s32 $0x2, s1;
	s0 =	sadd.s32 s4, s0;
	s5 =	sadd.s32 $0x600, s5  }
0xe: {  	s25 =	sshrl.u32 s1, $0x1;
	s26 =	sadd.s32 $0x800, s0;
	[dreg:$0x3] =	wrdreg s5  }
0xf: {  	s1 =	ssub.s32 s1, s25;
	s6 =	sadd.s32 $0x1800, s0;
	[dreg:$0x4] =	wrdreg s26  }
0x10: {  	s25 =	simm.s32 $0x80;
	s7 =	sadd.s32 $0x2800, s0;
	[dreg:$0x5] =	wrdreg s6  }
0x11: {  	v2 =	vlaneseq.u32;
	s4 =	sadd.s32 $0x100, s2;
	s0 =	sadd.s32 $0x3800, s0;
	[dreg:$0x6] =	wrdreg s7  }
0x12: {  	vm0 =	vmmov $0xffff;
	v1 =	vshrl.u32 v2, $0x3;
	s5 =	sadd.s32 $0x200, s2;
	s6 =	sadd.s32 $0x300, s2;
	[dreg:$0x7] =	wrdreg s0  }
0x13: {  	v0 =	vand.u32 $0x7, v2;
	v2 =	vor.u32 $0x8, v2;
	v1 =	vmul.u32 $0x8, v1;
	s7 =	smax.u32 s1, $0x1;
	s26 =	simm.s32 $0x1880;
	s1 =	simm.s32 $0x4880  }
.LBB2_1:
0x14: {  	s22 =	rddreg [dreg:$0x3];
	s0 =	simm.s32 $0x5  }
0x15: {  	[tilespmem:s3], [sflag:$0x5] =	stream.linear.gather [hbm4b:s22+s3], $0x80, $0x38;
	[tilespmem:$0x10080] =	vst v63  }
0x16: {  	_ =	swait.ge [sflag:s0], $0x80  }
0x17: {  	[sflag:s0] =	ssyncset.done $0x0  }
0x18: {  	[sflag:s0] =	ssyncadd.s32 $0xFFFFFF80  }
0x19: {  	v3 =	vld [tilespmem:$0x0];
	_ =	sdelay $0x4  }
0x1a: {  	v4 =	vshll.u32 v3, $0x3  }
0x1b: {  	v3 =	vand.u32 $0x7, v3;
	v4 =	vand.u32 $0xFFFFFFC0, v4  }
0x1c: {  	v3 =	vor.u32 v3, v4  }
0x1d: {  	v4 =	vperm.xlane v3, v0;
	_ =	sdelay $0x1  }
0x1e: {  	v4 =	vadd.s32 v1, v4;
	_ =	sdelay $0x4  }
0x1f: {  	[tilespmem:s25], [sflag:$0x1] =	stream.indirect_vreg.gather [hbm4b:s2+s3], $0x80, v4, vm0, $0xb8;
	[tilespmem:$0x10080] =	vst v63  }
0x20: {  	v3 =	vperm.xlane v3, v2  }
0x21: {  	[tilespmem:s23], [sflag:$0x1] =	stream.indirect_vreg.gather [hbm4b:s4+s3], $0x80, v4, vm0, $0xb8;
	[tilespmem:$0x10080] =	vst v63  }
0x22: {  	v3 =	vadd.s32 v1, v3  }
0x23: {  	[tilespmem:s24], [sflag:$0x1] =	stream.indirect_vreg.gather [hbm4b:s5+s3], $0x80, v4, vm0, $0xb8;
	[tilespmem:$0x10080] =	vst v63  }
0x24: {  	_ = 	snop  }
0x25: {  	[tilespmem:s26], [sflag:$0x1] =	stream.indirect_vreg.gather [hbm4b:s6+s3], $0x80, v4, vm0, $0xb8;
	[tilespmem:$0x10080] =	vst v63  }
0x26: {  	_ = 	snop  }
0x27: {  	[tilespmem:s28], [sflag:$0x1] =	stream.indirect_vreg.gather [hbm4b:s2+s3], $0x80, v3, vm0, $0xb8;
	[tilespmem:$0x10080] =	vst v63  }
0x28: {  	_ = 	snop  }
0x29: {  	[tilespmem:s29], [sflag:$0x1] =	stream.indirect_vreg.gather [hbm4b:s4+s3], $0x80, v3, vm0, $0xb8;
	[tilespmem:$0x10080] =	vst v63  }
0x2a: {  	_ = 	snop  }
0x2b: {  	[tilespmem:s30], [sflag:$0x1] =	stream.indirect_vreg.gather [hbm4b:s5+s3], $0x80, v3, vm0, $0xb8;
	[tilespmem:$0x10080] =	vst v63  }
0x2c: {  	_ = 	snop  }
0x2d: {  	[tilespmem:s31], [sflag:$0x1] =	stream.indirect_vreg.gather [hbm4b:s6+s3], $0x80, v3, vm0, $0xb8;
	[tilespmem:$0x10080] =	vst v63  }
0x2e: {  	v3 =	vld [tilespmem:$0x10];
	_ =	sdelay $0x4  }
0x2f: {  	v57 =	vshll.u32 v3, $0x3  }
0x30: {  	v3 =	vand.u32 $0x7, v3;
	v4 =	vand.u32 $0xFFFFFFC0, v57  }
0x31: {  	v3 =	vor.u32 v3, v4  }
0x32: {  	v4 =	vperm.xlane v3, v0;
	_ =	sdelay $0x1  }
0x33: {  	v4 =	vadd.s32 v1, v4;
	_ =	sdelay $0x3  }
0x34: {  	s0 =	simm.s32 $0x4080  }
0x35: {  	[tilespmem:s0], [sflag:$0x1] =	stream.indirect_vreg.gather [hbm4b:s2+s3], $0x80, v4, vm0, $0xb8;
	[tilespmem:$0x10080] =	vst v63  }
0x36: {  	v3 =	vperm.xlane v3, v2  }
0x37: {  	[tilespmem:s1], [sflag:$0x1] =	stream.indirect_vreg.gather [hbm4b:s4+s3], $0x80, v4, vm0, $0xb8;
	[tilespmem:$0x10080] =	vst v63  }
0x38: {  	v3 =	vadd.s32 v1, v3  }
0x39: {  	[tilespmem:s10], [sflag:$0x1] =	stream.indirect_vreg.gather [hbm4b:s5+s3], $0x80, v4, vm0, $0xb8;
	[tilespmem:$0x10080] =	vst v63  }
0x3a: {  	_ = 	snop  }
0x3b: {  	[tilespmem:s11], [sflag:$0x1] =	stream.indirect_vreg.gather [hbm4b:s6+s3], $0x80, v4, vm0, $0xb8;
	[tilespmem:$0x10080] =	vst v63  }
0x3c: {  	_ = 	snop  }
0x3d: {  	[tilespmem:s12], [sflag:$0x1] =	stream.indirect_vreg.gather [hbm4b:s2+s3], $0x80, v3, vm0, $0xb8;
	[tilespmem:$0x10080] =	vst v63  }
0x3e: {  	_ = 	snop  }
0x3f: {  	[tilespmem:s13], [sflag:$0x1] =	stream.indirect_vreg.gather [hbm4b:s4+s3], $0x80, v3, vm0, $0xb8;
	[tilespmem:$0x10080] =	vst v63  }
0x40: {  	_ = 	snop  }
0x41: {  	[tilespmem:s14], [sflag:$0x1] =	stream.indirect_vreg.gather [hbm4b:s5+s3], $0x80, v3, vm0, $0xb8;
	[tilespmem:$0x10080] =	vst v63  }
0x42: {  	_ = 	snop  }
0x43: {  	[tilespmem:s15], [sflag:$0x1] =	stream.indirect_vreg.gather [hbm4b:s6+s3], $0x80, v3, vm0, $0xb8;
	[tilespmem:$0x10080] =	vst v63  }
0x44: {  	v3 =	vld [tilespmem:$0x20];
	_ =	sdelay $0x4  }
0x45: {  	v58 =	vshll.u32 v3, $0x3  }
0x46: {  	v3 =	vand.u32 $0x7, v3;
	v4 =	vand.u32 $0xFFFFFFC0, v58  }
0x47: {  	v3 =	vor.u32 v3, v4  }
0x48: {  	v4 =	vperm.xlane v3, v0;
	_ =	sdelay $0x1  }
0x49: {  	v4 =	vadd.s32 v1, v4;
	_ =	sdelay $0x4  }
0x4a: {  	[tilespmem:s18], [sflag:$0x2] =	stream.indirect_vreg.gather [hbm4b:s2+s3], $0x80, v4, vm0, $0xb8;
	[tilespmem:$0x10080] =	vst v63  }
0x4b: {  	v3 =	vperm.xlane v3, v2  }
0x4c: {  	[tilespmem:s16], [sflag:$0x2] =	stream.indirect_vreg.gather [hbm4b:s4+s3], $0x80, v4, vm0, $0xb8;
	[tilespmem:$0x10080] =	vst v63  }
0x4d: {  	v3 =	vadd.s32 v1, v3  }
0x4e: {  	[tilespmem:s17], [sflag:$0x2] =	stream.indirect_vreg.gather [hbm4b:s5+s3], $0x80, v4, vm0, $0xb8;
	[tilespmem:$0x10080] =	vst v63  }
0x4f: {  	s9 =	simm.s32 $0x9880  }
0x50: {  	[tilespmem:s9], [sflag:$0x2] =	stream.indirect_vreg.gather [hbm4b:s6+s3], $0x80, v4, vm0, $0xb8;
	[tilespmem:$0x10080] =	vst v63  }
0x51: {  	s9 =	simm.s32 $0xA080  }
0x52: {  	[tilespmem:s9], [sflag:$0x2] =	stream.indirect_vreg.gather [hbm4b:s2+s3], $0x80, v3, vm0, $0xb8;
	[tilespmem:$0x10080] =	vst v63  }
0x53: {  	s22 =	simm.s32 $0xA880  }
0x54: {  	[tilespmem:s22], [sflag:$0x2] =	stream.indirect_vreg.gather [hbm4b:s4+s3], $0x80, v3, vm0, $0xb8;
	[tilespmem:$0x10080] =	vst v63  }
0x55: {  	s22 =	simm.s32 $0xB080  }
0x56: {  	[tilespmem:s22], [sflag:$0x2] =	stream.indirect_vreg.gather [hbm4b:s5+s3], $0x80, v3, vm0, $0xb8;
	[tilespmem:$0x10080] =	vst v63  }
0x57: {  	s22 =	simm.s32 $0xB880  }
0x58: {  	[tilespmem:s22], [sflag:$0x2] =	stream.indirect_vreg.gather [hbm4b:s6+s3], $0x80, v3, vm0, $0xb8;
	[tilespmem:$0x10080] =	vst v63  }
0x59: {  	v3 =	vld [tilespmem:$0x30];
	_ =	sdelay $0x4  }
0x5a: {  	v59 =	vshll.u32 v3, $0x3  }
0x5b: {  	v3 =	vand.u32 $0x7, v3;
	v4 =	vand.u32 $0xFFFFFFC0, v59  }
0x5c: {  	v3 =	vor.u32 v3, v4  }
0x5d: {  	v4 =	vperm.xlane v3, v0;
	_ =	sdelay $0x1  }
0x5e: {  	v4 =	vadd.s32 v1, v4;
	_ =	sdelay $0x3  }
0x5f: {  	s22 =	simm.s32 $0xC080  }
0x60: {  	[tilespmem:s22], [sflag:$0x2] =	stream.indirect_vreg.gather [hbm4b:s2+s3], $0x80, v4, vm0, $0xb8;
	[tilespmem:$0x10080] =	vst v63  }
0x61: {  	v3 =	vperm.xlane v3, v2;
	s22 =	simm.s32 $0xC880  }
0x62: {  	[tilespmem:s22], [sflag:$0x2] =	stream.indirect_vreg.gather [hbm4b:s4+s3], $0x80, v4, vm0, $0xb8;
	[tilespmem:$0x10080] =	vst v63  }
0x63: {  	v3 =	vadd.s32 v1, v3;
	s22 =	simm.s32 $0xD080  }
0x64: {  	[tilespmem:s22], [sflag:$0x2] =	stream.indirect_vreg.gather [hbm4b:s5+s3], $0x80, v4, vm0, $0xb8;
	[tilespmem:$0x10080] =	vst v63  }
0x65: {  	s22 =	simm.s32 $0xD880  }
0x66: {  	[tilespmem:s22], [sflag:$0x2] =	stream.indirect_vreg.gather [hbm4b:s6+s3], $0x80, v4, vm0, $0xb8;
	[tilespmem:$0x10080] =	vst v63  }
0x67: {  	s22 =	simm.s32 $0xE080  }
0x68: {  	[tilespmem:s22], [sflag:$0x2] =	stream.indirect_vreg.gather [hbm4b:s2+s3], $0x80, v3, vm0, $0xb8;
	[tilespmem:$0x10080] =	vst v63  }
0x69: {  	s22 =	simm.s32 $0xE880  }
0x6a: {  	[tilespmem:s22], [sflag:$0x2] =	stream.indirect_vreg.gather [hbm4b:s4+s3], $0x80, v3, vm0, $0xb8;
	[tilespmem:$0x10080] =	vst v63  }
0x6b: {  	s22 =	simm.s32 $0xF080  }
0x6c: {  	[tilespmem:s22], [sflag:$0x2] =	stream.indirect_vreg.gather [hbm4b:s5+s3], $0x80, v3, vm0, $0xb8;
	[tilespmem:$0x10080] =	vst v63  }
0x6d: {  	s22 =	simm.s32 $0xF880  }
0x6e: {  	[tilespmem:s22], [sflag:$0x2] =	stream.indirect_vreg.gather [hbm4b:s6+s3], $0x80, v3, vm0, $0xb8;
	[tilespmem:$0x10080] =	vst v63  }
0x6f: {  	_ =	swait.ge [sflag:s8], $0x8000  }
0x70: {  	[sflag:s8] =	ssyncset.done $0x0  }
0x71: {  	s22 =	rddreg [dreg:$0x4];
	[sflag:s8] =	ssyncadd.s32 $0xFFFF8000  }
0x72: {  	[hbm4b:s22+s3] =	stream.linear.scatter [tilespmem:s25], [sflag:$0x3], $0x8000, $0x38;
	[tilespmem:$0x10080] =	vst v63  }
0x73: {  	_ =	swait.ge [sflag:s19], $0x8000  }
0x74: {  	[sflag:s19] =	ssyncset.done $0x0  }
0x75: {  	[sflag:s19] =	ssyncadd.s32 $0xFFFF8000  }
0x76: {  	v3 =	vld [tilespmem:$0x40];
	_ =	sdelay $0x4  }
0x77: {  	v60 =	vshll.u32 v3, $0x3  }
0x78: {  	v3 =	vand.u32 $0x7, v3;
	v4 =	vand.u32 $0xFFFFFFC0, v60  }
0x79: {  	v3 =	vor.u32 v3, v4  }
0x7a: {  	v4 =	vperm.xlane v3, v0;
	_ =	sdelay $0x1  }
0x7b: {  	v4 =	vadd.s32 v1, v4;
	_ =	sdelay $0x4  }
0x7c: {  	[tilespmem:s25], [sflag:$0x1] =	stream.indirect_vreg.gather [hbm4b:s2+s3], $0x80, v4, vm0, $0xb8;
	[tilespmem:$0x10080] =	vst v63  }
0x7d: {  	v3 =	vperm.xlane v3, v2  }
0x7e: {  	[tilespmem:s23], [sflag:$0x1] =	stream.indirect_vreg.gather [hbm4b:s4+s3], $0x80, v4, vm0, $0xb8;
	[tilespmem:$0x10080] =	vst v63  }
0x7f: {  	v3 =	vadd.s32 v1, v3  }
0x80: {  	[tilespmem:s24], [sflag:$0x1] =	stream.indirect_vreg.gather [hbm4b:s5+s3], $0x80, v4, vm0, $0xb8;
	[tilespmem:$0x10080] =	vst v63  }
0x81: {  	_ = 	snop  }
0x82: {  	[tilespmem:s26], [sflag:$0x1] =	stream.indirect_vreg.gather [hbm4b:s6+s3], $0x80, v4, vm0, $0xb8;
	[tilespmem:$0x10080] =	vst v63  }
0x83: {  	_ = 	snop  }
0x84: {  	[tilespmem:s28], [sflag:$0x1] =	stream.indirect_vreg.gather [hbm4b:s2+s3], $0x80, v3, vm0, $0xb8;
	[tilespmem:$0x10080] =	vst v63  }
0x85: {  	_ = 	snop  }
0x86: {  	[tilespmem:s29], [sflag:$0x1] =	stream.indirect_vreg.gather [hbm4b:s4+s3], $0x80, v3, vm0, $0xb8;
	[tilespmem:$0x10080] =	vst v63  }
0x87: {  	_ = 	snop  }
0x88: {  	[tilespmem:s30], [sflag:$0x1] =	stream.indirect_vreg.gather [hbm4b:s5+s3], $0x80, v3, vm0, $0xb8;
	[tilespmem:$0x10080] =	vst v63  }
0x89: {  	_ = 	snop  }
0x8a: {  	[tilespmem:s31], [sflag:$0x1] =	stream.indirect_vreg.gather [hbm4b:s6+s3], $0x80, v3, vm0, $0xb8;
	[tilespmem:$0x10080] =	vst v63  }
0x8b: {  	v3 =	vld [tilespmem:$0x50];
	_ =	sdelay $0x4  }
0x8c: {  	v61 =	vshll.u32 v3, $0x3  }
0x8d: {  	v3 =	vand.u32 $0x7, v3;
	v4 =	vand.u32 $0xFFFFFFC0, v61  }
0x8e: {  	v3 =	vor.u32 v3, v4  }
0x8f: {  	v4 =	vperm.xlane v3, v0;
	_ =	sdelay $0x1  }
0x90: {  	v4 =	vadd.s32 v1, v4;
	_ =	sdelay $0x4  }
0x91: {  	[tilespmem:s0], [sflag:$0x1] =	stream.indirect_vreg.gather [hbm4b:s2+s3], $0x80, v4, vm0, $0xb8;
	[tilespmem:$0x10080] =	vst v63  }
0x92: {  	v3 =	vperm.xlane v3, v2  }
0x93: {  	[tilespmem:s1], [sflag:$0x1] =	stream.indirect_vreg.gather [hbm4b:s4+s3], $0x80, v4, vm0, $0xb8;
	[tilespmem:$0x10080] =	vst v63  }
0x94: {  	v3 =	vadd.s32 v1, v3  }
0x95: {  	[tilespmem:s10], [sflag:$0x1] =	stream.indirect_vreg.gather [hbm4b:s5+s3], $0x80, v4, vm0, $0xb8;
	[tilespmem:$0x10080] =	vst v63  }
0x96: {  	_ = 	snop  }
0x97: {  	[tilespmem:s11], [sflag:$0x1] =	stream.indirect_vreg.gather [hbm4b:s6+s3], $0x80, v4, vm0, $0xb8;
	[tilespmem:$0x10080] =	vst v63  }
0x98: {  	_ = 	snop  }
0x99: {  	[tilespmem:s12], [sflag:$0x1] =	stream.indirect_vreg.gather [hbm4b:s2+s3], $0x80, v3, vm0, $0xb8;
	[tilespmem:$0x10080] =	vst v63  }
0x9a: {  	_ = 	snop  }
0x9b: {  	[tilespmem:s13], [sflag:$0x1] =	stream.indirect_vreg.gather [hbm4b:s4+s3], $0x80, v3, vm0, $0xb8;
	[tilespmem:$0x10080] =	vst v63  }
0x9c: {  	_ = 	snop  }
0x9d: {  	[tilespmem:s14], [sflag:$0x1] =	stream.indirect_vreg.gather [hbm4b:s5+s3], $0x80, v3, vm0, $0xb8;
	[tilespmem:$0x10080] =	vst v63  }
0x9e: {  	_ = 	snop  }
0x9f: {  	[tilespmem:s15], [sflag:$0x1] =	stream.indirect_vreg.gather [hbm4b:s6+s3], $0x80, v3, vm0, $0xb8;
	[tilespmem:$0x10080] =	vst v63  }
0xa0: {  	_ =	swait.ge [sflag:s20], $0x8000  }
0xa1: {  	[sflag:s20] =	ssyncset.done $0x0  }
0xa2: {  	s0 =	rddreg [dreg:$0x5];
	[sflag:s20] =	ssyncadd.s32 $0xFFFF8000  }
0xa3: {  	[hbm4b:s0+s3] =	stream.linear.scatter [tilespmem:s18], [sflag:$0x4], $0x8000, $0x38;
	[tilespmem:$0x10080] =	vst v63  }
0xa4: {  	_ =	swait.ge [sflag:s21], $0x8000  }
0xa5: {  	[sflag:s21] =	ssyncset.done $0x0  }
0xa6: {  	[sflag:s21] =	ssyncadd.s32 $0xFFFF8000  }
0xa7: {  	v3 =	vld [tilespmem:$0x60];
	_ =	sdelay $0x4  }
0xa8: {  	v62 =	vshll.u32 v3, $0x3  }
0xa9: {  	v3 =	vand.u32 $0x7, v3;
	v4 =	vand.u32 $0xFFFFFFC0, v62  }
0xaa: {  	v3 =	vor.u32 v3, v4  }
0xab: {  	v4 =	vperm.xlane v3, v0;
	_ =	sdelay $0x1  }
0xac: {  	v4 =	vadd.s32 v1, v4;
	_ =	sdelay $0x4  }
0xad: {  	[tilespmem:s18], [sflag:$0x2] =	stream.indirect_vreg.gather [hbm4b:s2+s3], $0x80, v4, vm0, $0xb8;
	[tilespmem:$0x10080] =	vst v63  }
0xae: {  	v3 =	vperm.xlane v3, v2  }
0xaf: {  	[tilespmem:s16], [sflag:$0x2] =	stream.indirect_vreg.gather [hbm4b:s4+s3], $0x80, v4, vm0, $0xb8;
	[tilespmem:$0x10080] =	vst v63  }
0xb0: {  	v3 =	vadd.s32 v1, v3  }
0xb1: {  	[tilespmem:s17], [sflag:$0x2] =	stream.indirect_vreg.gather [hbm4b:s5+s3], $0x80, v4, vm0, $0xb8;
	[tilespmem:$0x10080] =	vst v63  }
0xb2: {  	s22 =	simm.s32 $0x9880  }
0xb3: {  	[tilespmem:s22], [sflag:$0x2] =	stream.indirect_vreg.gather [hbm4b:s6+s3], $0x80, v4, vm0, $0xb8;
	[tilespmem:$0x10080] =	vst v63  }
0xb4: {  	_ = 	snop  }
0xb5: {  	[tilespmem:s9], [sflag:$0x2] =	stream.indirect_vreg.gather [hbm4b:s2+s3], $0x80, v3, vm0, $0xb8;
	[tilespmem:$0x10080] =	vst v63  }
0xb6: {  	s22 =	simm.s32 $0xA880  }
0xb7: {  	[tilespmem:s22], [sflag:$0x2] =	stream.indirect_vreg.gather [hbm4b:s4+s3], $0x80, v3, vm0, $0xb8;
	[tilespmem:$0x10080] =	vst v63  }
0xb8: {  	s9 =	simm.s32 $0xB080  }
0xb9: {  	[tilespmem:s9], [sflag:$0x2] =	stream.indirect_vreg.gather [hbm4b:s5+s3], $0x80, v3, vm0, $0xb8;
	[tilespmem:$0x10080] =	vst v63  }
0xba: {  	s22 =	simm.s32 $0xB880  }
0xbb: {  	[tilespmem:s22], [sflag:$0x2] =	stream.indirect_vreg.gather [hbm4b:s6+s3], $0x80, v3, vm0, $0xb8;
	[tilespmem:$0x10080] =	vst v63  }
0xbc: {  	v3 =	vld [tilespmem:$0x70];
	_ =	sdelay $0x4  }
0xbd: {  	v63 =	vshll.u32 v3, $0x3  }
0xbe: {  	v3 =	vand.u32 $0x7, v3;
	v4 =	vand.u32 $0xFFFFFFC0, v63  }
0xbf: {  	v3 =	vor.u32 v3, v4  }
0xc0: {  	v4 =	vperm.xlane v3, v0;
	_ =	sdelay $0x1  }
0xc1: {  	v4 =	vadd.s32 v1, v4;
	_ =	sdelay $0x3  }
0xc2: {  	s9 =	simm.s32 $0xC080  }
0xc3: {  	[tilespmem:s9], [sflag:$0x2] =	stream.indirect_vreg.gather [hbm4b:s2+s3], $0x80, v4, vm0, $0xb8;
	[tilespmem:$0x10080] =	vst v63  }
0xc4: {  	s22 =	simm.s32 $0xC880;
	v3 =	vperm.xlane v3, v2  }
0xc5: {  	[tilespmem:s22], [sflag:$0x2] =	stream.indirect_vreg.gather [hbm4b:s4+s3], $0x80, v4, vm0, $0xb8;
	[tilespmem:$0x10080] =	vst v63  }
0xc6: {  	v3 =	vadd.s32 v1, v3;
	s9 =	simm.s32 $0xD080  }
0xc7: {  	[tilespmem:s9], [sflag:$0x2] =	stream.indirect_vreg.gather [hbm4b:s5+s3], $0x80, v4, vm0, $0xb8;
	[tilespmem:$0x10080] =	vst v63  }
0xc8: {  	s22 =	simm.s32 $0xD880  }
0xc9: {  	[tilespmem:s22], [sflag:$0x2] =	stream.indirect_vreg.gather [hbm4b:s6+s3], $0x80, v4, vm0, $0xb8;
	[tilespmem:$0x10080] =	vst v63  }
0xca: {  	s9 =	simm.s32 $0xE080  }
0xcb: {  	[tilespmem:s9], [sflag:$0x2] =	stream.indirect_vreg.gather [hbm4b:s2+s3], $0x80, v3, vm0, $0xb8;
	[tilespmem:$0x10080] =	vst v63  }
0xcc: {  	s22 =	simm.s32 $0xE880  }
0xcd: {  	[tilespmem:s22], [sflag:$0x2] =	stream.indirect_vreg.gather [hbm4b:s4+s3], $0x80, v3, vm0, $0xb8;
	[tilespmem:$0x10080] =	vst v63  }
0xce: {  	s9 =	simm.s32 $0xF080  }
0xcf: {  	[tilespmem:s9], [sflag:$0x2] =	stream.indirect_vreg.gather [hbm4b:s5+s3], $0x80, v3, vm0, $0xb8;
	[tilespmem:$0x10080] =	vst v63  }
0xd0: {  	s22 =	simm.s32 $0xF880  }
0xd1: {  	[tilespmem:s22], [sflag:$0x2] =	stream.indirect_vreg.gather [hbm4b:s6+s3], $0x80, v3, vm0, $0xb8;
	[tilespmem:$0x10080] =	vst v63  }
0xd2: {  	_ =	swait.ge [sflag:s8], $0x8000  }
0xd3: {  	[sflag:s8] =	ssyncset.done $0x0  }
0xd4: {  	s0 =	rddreg [dreg:$0x6];
	[sflag:s8] =	ssyncadd.s32 $0xFFFF8000  }
0xd5: {  	[hbm4b:s0+s3] =	stream.linear.scatter [tilespmem:s25], [sflag:$0x3], $0x8000, $0x38;
	[tilespmem:$0x10080] =	vst v63  }
0xd6: {  	_ =	swait.ge [sflag:s20], $0x8000  }
0xd7: {  	[sflag:s20] =	ssyncset.done $0x0  }
0xd8: {  	s9 =	rddreg [dreg:$0x7];
	[sflag:s20] =	ssyncadd.s32 $0xFFFF8000  }
0xd9: {  	[hbm4b:s9+s3] =	stream.linear.scatter [tilespmem:s18], [sflag:$0x4], $0x8000, $0x38;
	[tilespmem:$0x10080] =	vst v63  }
0xda: {  	p0 =	sne.s32 s7, $0x1;
	_ =	swait.ge [sflag:s19], $0x8000  }
.Ltmp0:
0xdb: {  	[sflag:s19] =	ssyncset.done $0x0;
	(pc) =	sbr.rel @p0 .LBB2_1-.Ltmp0, $4  }
0xdc: {  	[sflag:s19] =	ssyncadd.s32 $0xFFFF8000  }
0xdd: {  	_ =	swait.ge [sflag:s21], $0x8000  }
0xde: {  	[sflag:s21] =	ssyncset.done $0x0  }
0xdf: {  	s7 =	sadd.s32 $0xFFFFFFFF, s7;
	[sflag:s21] =	ssyncadd.s32 $0xFFFF8000  }
0xe0: {  	_ =	sfence.sel $0x180000  }
0xe1: {  	[bflag:$0x0] =	sbarrier.arrive $0xFFFF  }
0xe2: {  	_ =	strace $0x90000047  }
0xe3: {  	s0 =	stileid.u32;
	[bflag:$0x2] =	sbarrier.arrive $0xFFFF  }
0xe4: {  	p0 =	sne.s32 s0, $0x0;
	s0 =	rddreg [dreg:$0x2]  }
0xe5: {  	s0 =	sadd.s32 @!p0 $0x100000, s0  }
0xe6: {  	[sflag:s0] =	ssyncadd.tile.s32 @!p0 $0x1;
	_ =	shalt  }
.Lfunc_end2:
_tile_overlayer_lowered:
.L_overlay_start_2:
0xe7: {  	(tag) =	ssettag $0x2  }
0xe8: {  	s0 =	rddreg [dreg:$0x0];
	s2 =	stileid.u32  }
0xe9: {  	s1 =	rddreg [dreg:$0x1];
	p0 =	sne.s32 s2, $0x0  }
0xea: {  	s3 =	rddreg [dreg:$0x2];
	[bflag:$0x3] =	sbarrier.arrive $0xFFFF;
	s2 =	simm.s32 @!p0 $0x1C05  }
0xeb: {  	[timem:s3], [sflag:s2] =	dma.local @!p0 [hbm:s0], s1  }
0xec: {  	s0 =	simm.s32 @!p0 $0x5  }
0xed: {  	_ =	swait.ge @!p0 [sflag:s0], s1  }
0xee: {  	s1 =	ssub.s32 @!p0 $0x0, s1;
	[sflag:s0] =	ssyncset.done @!p0 $0x0  }
0xef: {  	[sflag:s0] =	ssyncadd.s32 @!p0 s1  }
0xf0: {  	[bflag:$0x3] =	sbarrier.arrive $0xFFFF  }
0xf1: {  	_ =	shalt  }

// kernel: kernel.9.cloned.1.call-start
scs
__scs_entry_jumppad:
0x0: {  	(pc) =	sbr.rel $0x88, $3  }
0x1: {  	(tag) =	ssettag $0x0;
	lr =	simm.s32 $0x1  }
0x2: {  	[smem:$0x3F9C] =	sst lr;
	_ =	strace $0xD0000000  }
0x3: {  	_ = 	snop  }
0x4: {  	_ = 	snop  }
0x5: {  	_ = 	snop  }
0x6: {  	_ = 	snop  }
0x7: {  	_ = 	snop  }
__scs_overlays_trampoline_lowered:
0x8: {  	[smem:$0x3FAB] =	sst s0  }
0x9: {  	[smem:$0x3FAC] =	sst s1  }
0xa: {  	[smem:$0x3FAD] =	sst s2  }
0xb: {  	[smem:$0x3FAE] =	sst s3  }
0xc: {  	[smem:$0x3FAF] =	sst s4  }
0xd: {  	[smem:$0x3FB0] =	sst s5  }
0xe: {  	[smem:$0x3FB1] =	sst s6  }
0xf: {  	[smem:$0x3FB2] =	sst s7  }
0x10: {  	[smem:$0x3FB3] =	sst s8  }
0x11: {  	[smem:$0x3FB4] =	sst s9;
	s0 =	simm.s32 @!p0 $0x0  }
0x12: {  	s1 =	sld [smem:$0x3F9A];
	s0 =	simm.s32 @p0 $0x1  }
0x13: {  	[smem:$0x3FB5] =	sst s0;
	s0 =	simm.s32 @!p1 $0x0  }
0x14: {  	s2 =	sld [smem:$0x3F99];
	s0 =	simm.s32 @p1 $0x1  }
0x15: {  	[smem:$0x3FB6] =	sst s0;
	s0 =	simm.s32 @!p2 $0x0  }
0x16: {  	s3 =	sld [smem:$0x3FDB];
	s0 =	simm.s32 @p2 $0x1  }
0x17: {  	s4 =	simm.s32 $0x1BF5;
	[smem:$0x3FB8] =	sst s0  }
0x18: {  	s0 =	sld [smem:$0x3F9B];
	_ =	swait.ge [sflag:s4], $0x0  }
0x19: {  	s7 =	sld [smem:$0x3F9C]  }
0x1a: {  	s8 =	sadd.s32 $0xFFFFE003, lr  }
0x1b: {  	s9 =	sadd.s32 $0xFFFFFEF7, lr;
	s5 =	simm.s32 $0xFFFFFFFF;
	p2 =	slt.u32 s8, $0xFFFFF086  }
0x1c: {  	p1 =	slt.u32 s9, $0xF7A;
	s5 =	simm.s32 @!p2 $0x0  }
0x1d: {  	s5 =	simm.s32 @p1 $0x1;
	p0 =	seq.s32 s7, s2  }
0x1e: {  	s7 =	smul.u32 @!p0 $0xF7A, s2;
	p2 =	seq.s32 @!p0 s5, $0x0  }
0x1f: {  	s9 =	smul.u32 $0xF7A, s1;
	s8 =	simm.s32 @!p0 $0x1BF5;
	p2 =	por !p2, p0  }
0x20: {  	[sflag:s8] =	ssyncset.s32 @!p0 $0xFFFFF086;
	s6 =	sadd.s32 @!p0 s3, s7;
	s7 =	simm.s32 @!p0 $0x108  }
0x21: {  	s3 =	sadd.s32 s3, s9;
	s6 =	sadd.s32 @!p0 $0x88, s6;
	s7 =	simm.s32 @p2 $0x1082  }
0x22: {  	[simem:s7], [sflag:s8] =	dma.local @!p0 [hbm:s6], $0xF7A  }
0x23: {  	s9 =	sor.u32 $0xD0000000, s2;
	s6 =	simm.s32 $0x108;
	_ =	swait.ge @!p0 [sflag:s8], $0x0  }
0x24: {  	s3 =	sadd.s32 $0x88, s3;
	s6 =	simm.s32 @!p1 $0x1082;
	[sflag:s4] =	ssyncset.s32 $0xFFFFF086  }
0x25: {  	[simem:s6], [sflag:s4] =	dma.local [hbm:s3], $0xF7A  }
0x26: {  	[smem:$0x3F9C] =	sst s1;
	(tag) =	ssettag s2;
	_ =	strace s9  }
0x27: {  	s1 =	sld [smem:$0x3FAC]  }
0x28: {  	s2 =	sld [smem:$0x3FAD]  }
0x29: {  	s4 =	sld [smem:$0x3FAF]  }
0x2a: {  	p0 =	seq.s32 s5, $0x0;
	s5 =	sld [smem:$0x3FB0]  }
0x2b: {  	s6 =	sld [smem:$0x3FB1]  }
0x2c: {  	s7 =	sld [smem:$0x3FB2]  }
0x2d: {  	s3 =	simm.s32 $0x108;
	s8 =	sld [smem:$0x3FB3]  }
0x2e: {  	s3 =	simm.s32 @!p0 $0x1082;
	s9 =	sld [smem:$0x3FB4]  }
0x2f: {  	lr =	sadd.s32 s0, s3;
	s0 =	sld [smem:$0x3FAB]  }
0x30: {  	s3 =	sld [smem:$0x3FAE]  }
0x31: {  	[smem:$0x3FB7] =	sst s10  }
0x32: {  	s10 =	sld [smem:$0x3FB5];
	_ =	sdelay $0x3  }
0x33: {  	p0 =	seq.s32 s10, $0x1;
	s10 =	sld [smem:$0x3FB7];
	_ =	sdelay $0x3  }
0x34: {  	[smem:$0x3FB7] =	sst s10  }
0x35: {  	s10 =	sld [smem:$0x3FB6];
	_ =	sdelay $0x3  }
0x36: {  	p1 =	seq.s32 s10, $0x1;
	s10 =	sld [smem:$0x3FB7];
	_ =	sdelay $0x3  }
0x37: {  	[smem:$0x3FB7] =	sst s10  }
0x38: {  	s10 =	sld [smem:$0x3FB8]  }
0x39: {  	_ = 	snop;
	(pc) =	sbr.ind lr, $3  }
0x3a: {  	_ = 	snop  }
0x3b: {  	_ = 	snop  }
0x3c: {  	p2 =	seq.s32 s10, $0x1;
	s10 =	sld [smem:$0x3FB7]  }
0x3d: {  	_ =	shalt  }
0x3e: {  	_ =	shalt  }
0x3f: {  	_ =	shalt  }
0x40: {  	_ =	shalt  }
0x41: {  	_ =	shalt  }
0x42: {  	_ =	shalt  }
0x43: {  	_ =	shalt  }
0x44: {  	_ =	shalt  }
0x45: {  	_ =	shalt  }
0x46: {  	_ =	shalt  }
0x47: {  	_ =	shalt  }
0x48: {  	_ =	shalt  }
0x49: {  	_ =	shalt  }
0x4a: {  	_ =	shalt  }
0x4b: {  	_ =	shalt  }
0x4c: {  	_ =	shalt  }
0x4d: {  	_ =	shalt  }
0x4e: {  	_ =	shalt  }
0x4f: {  	_ =	shalt  }
0x50: {  	_ =	shalt  }
0x51: {  	_ =	shalt  }
0x52: {  	_ =	shalt  }
0x53: {  	_ =	shalt  }
0x54: {  	_ =	shalt  }
0x55: {  	_ =	shalt  }
0x56: {  	_ =	shalt  }
0x57: {  	_ =	shalt  }
0x58: {  	_ =	shalt  }
0x59: {  	_ =	shalt  }
0x5a: {  	_ =	shalt  }
0x5b: {  	_ =	shalt  }
0x5c: {  	_ =	shalt  }
0x5d: {  	_ =	shalt  }
0x5e: {  	_ =	shalt  }
0x5f: {  	_ =	shalt  }
0x60: {  	_ =	shalt  }
0x61: {  	_ =	shalt  }
0x62: {  	_ =	shalt  }
0x63: {  	_ =	shalt  }
0x64: {  	_ =	shalt  }
0x65: {  	_ =	shalt  }
0x66: {  	_ =	shalt  }
0x67: {  	_ =	shalt  }
0x68: {  	_ =	shalt  }
0x69: {  	_ =	shalt  }
0x6a: {  	_ =	shalt  }
0x6b: {  	_ =	shalt  }
0x6c: {  	_ =	shalt  }
0x6d: {  	_ =	shalt  }
0x6e: {  	_ =	shalt  }
0x6f: {  	_ =	shalt  }
0x70: {  	_ =	shalt  }
0x71: {  	_ =	shalt  }
0x72: {  	_ =	shalt  }
0x73: {  	_ =	shalt  }
0x74: {  	_ =	shalt  }
0x75: {  	_ =	shalt  }
0x76: {  	_ =	shalt  }
0x77: {  	_ =	shalt  }
0x78: {  	_ =	shalt  }
0x79: {  	_ =	shalt  }
0x7a: {  	_ =	shalt  }
0x7b: {  	_ =	shalt  }
0x7c: {  	_ =	shalt  }
0x7d: {  	_ =	shalt  }
0x7e: {  	_ =	shalt  }
0x7f: {  	_ =	shalt  }
0x80: {  	_ =	shalt  }
0x81: {  	_ =	shalt  }
0x82: {  	_ =	shalt  }
0x83: {  	_ =	shalt  }
0x84: {  	_ =	shalt  }
0x85: {  	_ =	shalt  }
0x86: {  	_ =	shalt  }
0x87: {  	_ =	shalt  }
.Lfunc_end0:
.L_simem_size_0:
called_computation.1_lowered:
.L_overlay_start_0:
0x88: {  	s2 =	sld [smem:$0x3FD9]  }
0x89: {  	s3 =	sld [smem:$0x3FFE];
	_ =	sdelay $0x1  }
0x8a: {  	s1 =	srdreg.scid  }
0x8b: {  	s0 =	sand.u32 $0x1, s1  }
0x8c: {  	s17 =	sshll.u32 s0, $0xA;
	s2 =	sadd.s32 s3, s2  }
0x8d: {  	s2 =	sadd.s32 s2, s17  }
0x8e: {  	[smem:$0x3FC3] =	sst s2  }
0x8f: {  	_ = 	snop  }
0x90: {  	s4 =	sld [smem:$0x3FC5]  }
0x91: {  	s18 =	sld [smem:$0x3FD0];
	(tm) =	ssettm $0x1  }
0x92: {  	s19 =	sld [smem:$0x3FFB];
	_ =	sdelay $0x3  }
0x93: {  	_ =	strace s19  }
0x94: {  	s2 =	sld [smem:$0x3FFC];
	_ =	sdelay $0x3  }
0x95: {  	_ =	strace s2  }
0x96: {  	s2 =	sld [smem:$0x3FFD];
	_ =	sdelay $0x3  }
0x97: {  	_ =	strace s2  }
0x98: {  	_ =	strace $0x8FFFFFFF  }
0x99: {  	s20 =	sld [smem:$0x3FDB];
	_ =	sdelay $0x1  }
0x9a: {  	s5 =	simm.s32 $_scs_section_size  }
0x9b: {  	s6 =	simm.s32 $_size__tile_overlayer_lowered;
	s7 =	simm.s32 $_tile_overlayer_lowered  }
0x9c: {  	s8 =	simm.s32 $0x1BFF;
	s21 =	sshll.u32 s7, $0x1;
	s5 =	sadd.s32 s5, s20  }
0x9d: {  	s22 =	simm.s32 $0x0;
	s6 =	sshll.u32 s6, $0x1;
	s7 =	sadd.s32 s21, s5  }
0x9e: {  	[timem:s22], [sflag:s8] =	dma.local [hbm:s7], s6  }
0x9f: {  	_ =	swait.ge [sflag:s8], s6  }
0xa0: {  	s6 =	ssub.s32 $0x0, s6;
	[sflag:s8] =	ssyncset.done $0x0  }
0xa1: {  	[sflag:s8] =	ssyncadd.s32 s6;
	_ =	sdelay $0x1  }
0xa2: {  	s23 =	simm.s32 $0x1B8B  }
0xa3: {  	_ =	swait.ge [sflag:s23], $0x1  }
0xa4: {  	[sflag:s23] =	ssyncset.done $0x0  }
0xa5: {  	[sflag:s23] =	ssyncadd.s32 $0xFFFFFFFF  }
0xa6: {  	s6 =	sld [smem:$0x0]  }
0xa7: {  	s7 =	sand.u32 $0xFFFFFFFE, s1  }
0xa8: {  	p0 =	sne.s32 s1, s7  }
0xa9: {  	s7 =	sshll.u32 @p0 s7, $0xE  }
0xaa: {  	s7 =	sadd.s32 @p0 $0x11B8D, s7;
	s8 =	sshll.u32 @p0 s6, $0x11  }
0xab: {  	s7 =	sor.u32 @p0 s8, s7  }
0xac: {  	[sflag:s7] =	ssyncadd.remote.s32 @p0 $0x1;
	_ =	sdelay $0x1  }
0xad: {  	s7 =	simm.s32 @p0 $0x1B8D  }
0xae: {  	_ =	swait.eq @p0 [sflag:s7], $0x1  }
0xaf: {  	[sflag:s7] =	ssyncadd.s32 @p0 $0xFFFFFFFF  }
0xb0: {  	s8 =	sshll.u32 @!p0 s1, $0xE  }
0xb1: {  	s8 =	sor.u32 @!p0 $0x4000, s8;
	s7 =	simm.s32 @!p0 $0x1B8D  }
0xb2: {  	s6 =	sshll.u32 @!p0 s6, $0x11;
	s8 =	sadd.s32 @!p0 $0x11B8D, s8;
	_ =	swait.eq @!p0 [sflag:s7], $0x1  }
0xb3: {  	s6 =	sor.u32 @!p0 s6, s8;
	[sflag:s7] =	ssyncadd.s32 @!p0 $0xFFFFFFFF  }
0xb4: {  	s25 =	simm.s32 $0x1B8E;
	s24 =	sld [smem:$0x3FFE];
	[sflag:s6] =	ssyncadd.remote.s32 @!p0 $0x1  }
0xb5: {  	s26 =	simm.s32 $execute0_lowered;
	[smem:$0x3FD2] =	sst s25  }
0xb6: {  	s7 =	sshll.u32 s26, $0x1;
	_ =	strace $0x80000049;
	[dreg:$0x1] =	wrdreg $0xFFFFFFFF  }
0xb7: {  	s28 =	simm.s32 $_size_execute0_lowered;
	s5 =	sadd.s32 s5, s7;
	[dreg:$0x0] =	wrdreg $0x0  }
0xb8: {  	s7 =	sshll.u32 s28, $0x1;
	[dreg:$0x2] =	wrdreg s5  }
0xb9: {  	[dreg:$0x3] =	wrdreg s7  }
0xba: {  	[dreg:$0x4] =	wrdreg $0xC0  }
0xbb: {  	_ =	task [dreg:s22], $0x5FFFF  }
0xbc: {  	[dreg:$0x1] =	wrdreg $0xFFFFFFFF  }
0xbd: {  	[dreg:$0x0] =	wrdreg $0x60  }
0xbe: {  	[dreg:$0x2] =	wrdreg s4  }
0xbf: {  	[dreg:$0x3] =	wrdreg s24  }
0xc0: {  	[dreg:$0x4] =	wrdreg s18  }
0xc1: {  	[dreg:$0x5] =	wrdreg $0xA  }
0xc2: {  	_ =	task.clear_ibuf [dreg:s22], $0x6FFFF;
	_ =	strace $0x90000049  }
0xc3: {  	s29 =	simm.s32 $0xA;
	_ =	strace $0x8000004B  }
0xc4: {  	_ =	swait.ge [sflag:s29], $0x1  }
0xc5: {  	[sflag:s29] =	ssyncadd.s32 $0xFFFFFFFF  }
0xc6: {  	_ =	strace $0x9000004B  }
0xc7: {  	_ =	sfence  }
0xc8: {  	s30 =	sld [smem:$0x0];
	_ =	sdelay $0x2  }
0xc9: {  	s31 =	sshll.u32 s1, $0xD;
	s1 =	sshrl.u32 s1, $0x2  }
0xca: {  	s4 =	sand.u32 $0x4000, s31;
	s1 =	sadd.s32 s1, s30  }
0xcb: {  	s0 =	sor.u32 s4, s0;
	s1 =	sshll.u32 s1, $0x11  }
0xcc: {  	s0 =	sor.u32 s1, s0  }
0xcd: {  	s0 =	sadd.s32 $0x8F2B, s0  }
0xce: {  	[sflag:s0] =	ssyncadd.remote.s32 $0x1  }
0xcf: {  	_ =	sfence.sel $0xFFFF  }
0xd0: {  	[dreg:$0x0] =	wrdreg $0xFFFFFFFF;
	(pc) =	sbr.abs _section_cstart, $3  }
0xd1: {  	[dreg:$0x1] =	wrdreg $0xFFFFFFFF  }
0xd2: {  	_ =	task.clear_ibuf [dreg:s22], $0x2FFFF;
	_ =	strace $0x9FFFFFFF  }
0xd3: {  	(tm) =	ssettm $0x7FFFFFFF  }
tec
execute0_lowered:
.L_overlay_start_1:
0x0: {  	(tag) =	ssettag $0x1  }
0x1: {  	s1 =	rddreg [dreg:$0x0]  }
0x2: {  	s0 =	rddreg [dreg:$0x1]  }
0x3: {  	s2 =	rddreg [dreg:$0x2]  }
0x4: {  	s3 =	srdreg.scid;
	s5 =	stileid.u32;
	s9 =	simm.s32 $0x1  }
0x5: {  	s21 =	simm.s32 $0x3;
	s22 =	simm.s32 $0x4;
	s28 =	simm.s32 $0x1880  }
0x6: {  	s29 =	simm.s32 $0x2080;
	s30 =	simm.s32 $0x2880;
	s31 =	simm.s32 $0x3080  }
0x7: {  	s11 =	simm.s32 $0x4880;
	s12 =	simm.s32 $0x5080;
	s13 =	simm.s32 $0x5880  }
0x8: {  	s14 =	simm.s32 $0x6080;
	s15 =	simm.s32 $0x6880;
	s16 =	simm.s32 $0x7080  }
0x9: {  	s17 =	simm.s32 $0x7880;
	s20 =	simm.s32 $0x8080;
	s18 =	simm.s32 $0x8880  }
0xa: {  	s19 =	simm.s32 $0x9080;
	s4 =	sand.u32 $0x1, s3;
	s3 =	simm.s32 $0x0  }
0xb: {  	s5 =	sshll.u32 s5, $0x8;
	s7 =	sadd.s32 $0x300, s1;
	s6 =	sshll.u32 s4, $0x7  }
0xc: {  	[smem:$0x7FF] =	sst s3;
	s4 =	ssub.s32 $0x2, s4;
	s5 =	sor.u32 s6, s5  }
0xd: {  	_ =	strace $0x8000004A;
	s6 =	sshrl.u32 s5, $0x3;
	s5 =	sshll.u32 s5, $0x7  }
0xe: {  	s23 =	sshrl.u32 s4, $0x1;
	s0 =	sadd.s32 s6, s0;
	s2 =	sadd.s32 s2, s5  }
0xf: {  	s4 =	ssub.s32 s4, s23;
	s0 =	sadd.s32 $0x80800, s0;
	[dreg:$0x8] =	wrdreg s2  }
0x10: {  	s5 =	sadd.s32 $0x100, s1;
	s24 =	sadd.s32 $0x1000, s2;
	[dreg:$0x4] =	wrdreg s0  }
0x11: {  	s6 =	sadd.s32 $0x200, s1;
	s25 =	sadd.s32 $0x2000, s2;
	[dreg:$0x5] =	wrdreg s24  }
0x12: {  	v2 =	vlaneseq.u32;
	s8 =	smax.u32 s4, $0x1;
	s26 =	sadd.s32 $0x3000, s2;
	[dreg:$0x6] =	wrdreg s25  }
0x13: {  	vm0 =	vmmov $0xffff;
	v1 =	vshrl.u32 v2, $0x3;
	s4 =	simm.s32 $0x2;
	s2 =	simm.s32 $0x4080;
	[dreg:$0x7] =	wrdreg s26  }
0x14: {  	v0 =	vand.u32 $0x7, v2;
	v2 =	vor.u32 $0x8, v2;
	v1 =	vmul.u32 $0x8, v1;
	s26 =	simm.s32 $0x80;
	s24 =	simm.s32 $0x880;
	s25 =	simm.s32 $0x1080  }
.LBB2_1:
0x15: {  	s23 =	rddreg [dreg:$0x4];
	s0 =	simm.s32 $0x5  }
0x16: {  	[tilespmem:s3], [sflag:$0x5] =	stream.linear.gather [hbm4b:s23+s3], $0x80, $0x38;
	[tilespmem:$0x10080] =	vst v63  }
0x17: {  	_ =	swait.ge [sflag:s0], $0x80  }
0x18: {  	[sflag:s0] =	ssyncset.done $0x0  }
0x19: {  	[sflag:s0] =	ssyncadd.s32 $0xFFFFFF80  }
0x1a: {  	v3 =	vld [tilespmem:$0x0];
	_ =	sdelay $0x4  }
0x1b: {  	v4 =	vshll.u32 v3, $0x3  }
0x1c: {  	v3 =	vand.u32 $0x7, v3;
	v4 =	vand.u32 $0xFFFFFFC0, v4  }
0x1d: {  	v3 =	vor.u32 v3, v4  }
0x1e: {  	v4 =	vperm.xlane v3, v0;
	_ =	sdelay $0x1  }
0x1f: {  	v4 =	vadd.s32 v1, v4;
	_ =	sdelay $0x4  }
0x20: {  	[tilespmem:s26], [sflag:$0x1] =	stream.indirect_vreg.gather [hbm4b:s1+s3], $0x80, v4, vm0, $0xb8;
	[tilespmem:$0x10080] =	vst v63  }
0x21: {  	v3 =	vperm.xlane v3, v2  }
0x22: {  	[tilespmem:s24], [sflag:$0x1] =	stream.indirect_vreg.gather [hbm4b:s5+s3], $0x80, v4, vm0, $0xb8;
	[tilespmem:$0x10080] =	vst v63  }
0x23: {  	v3 =	vadd.s32 v1, v3  }
0x24: {  	[tilespmem:s25], [sflag:$0x1] =	stream.indirect_vreg.gather [hbm4b:s6+s3], $0x80, v4, vm0, $0xb8;
	[tilespmem:$0x10080] =	vst v63  }
0x25: {  	_ = 	snop  }
0x26: {  	[tilespmem:s28], [sflag:$0x1] =	stream.indirect_vreg.gather [hbm4b:s7+s3], $0x80, v4, vm0, $0xb8;
	[tilespmem:$0x10080] =	vst v63  }
0x27: {  	_ = 	snop  }
0x28: {  	[tilespmem:s29], [sflag:$0x1] =	stream.indirect_vreg.gather [hbm4b:s1+s3], $0x80, v3, vm0, $0xb8;
	[tilespmem:$0x10080] =	vst v63  }
0x29: {  	_ = 	snop  }
0x2a: {  	[tilespmem:s30], [sflag:$0x1] =	stream.indirect_vreg.gather [hbm4b:s5+s3], $0x80, v3, vm0, $0xb8;
	[tilespmem:$0x10080] =	vst v63  }
0x2b: {  	_ = 	snop  }
0x2c: {  	[tilespmem:s31], [sflag:$0x1] =	stream.indirect_vreg.gather [hbm4b:s6+s3], $0x80, v3, vm0, $0xb8;
	[tilespmem:$0x10080] =	vst v63  }
0x2d: {  	s0 =	simm.s32 $0x3880  }
0x2e: {  	[tilespmem:s0], [sflag:$0x1] =	stream.indirect_vreg.gather [hbm4b:s7+s3], $0x80, v3, vm0, $0xb8;
	[tilespmem:$0x10080] =	vst v63  }
0x2f: {  	v3 =	vld [tilespmem:$0x10];
	_ =	sdelay $0x4  }
0x30: {  	v57 =	vshll.u32 v3, $0x3  }
0x31: {  	v3 =	vand.u32 $0x7, v3;
	v4 =	vand.u32 $0xFFFFFFC0, v57  }
0x32: {  	v3 =	vor.u32 v3, v4  }
0x33: {  	v4 =	vperm.xlane v3, v0;
	_ =	sdelay $0x1  }
0x34: {  	v4 =	vadd.s32 v1, v4;
	_ =	sdelay $0x4  }
0x35: {  	[tilespmem:s2], [sflag:$0x1] =	stream.indirect_vreg.gather [hbm4b:s1+s3], $0x80, v4, vm0, $0xb8;
	[tilespmem:$0x10080] =	vst v63  }
0x36: {  	v3 =	vperm.xlane v3, v2  }
0x37: {  	[tilespmem:s11], [sflag:$0x1] =	stream.indirect_vreg.gather [hbm4b:s5+s3], $0x80, v4, vm0, $0xb8;
	[tilespmem:$0x10080] =	vst v63  }
0x38: {  	v3 =	vadd.s32 v1, v3  }
0x39: {  	[tilespmem:s12], [sflag:$0x1] =	stream.indirect_vreg.gather [hbm4b:s6+s3], $0x80, v4, vm0, $0xb8;
	[tilespmem:$0x10080] =	vst v63  }
0x3a: {  	_ = 	snop  }
0x3b: {  	[tilespmem:s13], [sflag:$0x1] =	stream.indirect_vreg.gather [hbm4b:s7+s3], $0x80, v4, vm0, $0xb8;
	[tilespmem:$0x10080] =	vst v63  }
0x3c: {  	_ = 	snop  }
0x3d: {  	[tilespmem:s14], [sflag:$0x1] =	stream.indirect_vreg.gather [hbm4b:s1+s3], $0x80, v3, vm0, $0xb8;
	[tilespmem:$0x10080] =	vst v63  }
0x3e: {  	_ = 	snop  }
0x3f: {  	[tilespmem:s15], [sflag:$0x1] =	stream.indirect_vreg.gather [hbm4b:s5+s3], $0x80, v3, vm0, $0xb8;
	[tilespmem:$0x10080] =	vst v63  }
0x40: {  	_ = 	snop  }
0x41: {  	[tilespmem:s16], [sflag:$0x1] =	stream.indirect_vreg.gather [hbm4b:s6+s3], $0x80, v3, vm0, $0xb8;
	[tilespmem:$0x10080] =	vst v63  }
0x42: {  	_ = 	snop  }
0x43: {  	[tilespmem:s17], [sflag:$0x1] =	stream.indirect_vreg.gather [hbm4b:s7+s3], $0x80, v3, vm0, $0xb8;
	[tilespmem:$0x10080] =	vst v63  }
0x44: {  	v3 =	vld [tilespmem:$0x20];
	_ =	sdelay $0x4  }
0x45: {  	v58 =	vshll.u32 v3, $0x3  }
0x46: {  	v3 =	vand.u32 $0x7, v3;
	v4 =	vand.u32 $0xFFFFFFC0, v58  }
0x47: {  	v3 =	vor.u32 v3, v4  }
0x48: {  	v4 =	vperm.xlane v3, v0;
	_ =	sdelay $0x1  }
0x49: {  	v4 =	vadd.s32 v1, v4;
	_ =	sdelay $0x4  }
0x4a: {  	[tilespmem:s20], [sflag:$0x2] =	stream.indirect_vreg.gather [hbm4b:s1+s3], $0x80, v4, vm0, $0xb8;
	[tilespmem:$0x10080] =	vst v63  }
0x4b: {  	v3 =	vperm.xlane v3, v2  }
0x4c: {  	[tilespmem:s18], [sflag:$0x2] =	stream.indirect_vreg.gather [hbm4b:s5+s3], $0x80, v4, vm0, $0xb8;
	[tilespmem:$0x10080] =	vst v63  }
0x4d: {  	v3 =	vadd.s32 v1, v3  }
0x4e: {  	[tilespmem:s19], [sflag:$0x2] =	stream.indirect_vreg.gather [hbm4b:s6+s3], $0x80, v4, vm0, $0xb8;
	[tilespmem:$0x10080] =	vst v63  }
0x4f: {  	s10 =	simm.s32 $0x9880  }
0x50: {  	[tilespmem:s10], [sflag:$0x2] =	stream.indirect_vreg.gather [hbm4b:s7+s3], $0x80, v4, vm0, $0xb8;
	[tilespmem:$0x10080] =	vst v63  }
0x51: {  	s10 =	simm.s32 $0xA080  }
0x52: {  	[tilespmem:s10], [sflag:$0x2] =	stream.indirect_vreg.gather [hbm4b:s1+s3], $0x80, v3, vm0, $0xb8;
	[tilespmem:$0x10080] =	vst v63  }
0x53: {  	s23 =	simm.s32 $0xA880  }
0x54: {  	[tilespmem:s23], [sflag:$0x2] =	stream.indirect_vreg.gather [hbm4b:s5+s3], $0x80, v3, vm0, $0xb8;
	[tilespmem:$0x10080] =	vst v63  }
0x55: {  	s23 =	simm.s32 $0xB080  }
0x56: {  	[tilespmem:s23], [sflag:$0x2] =	stream.indirect_vreg.gather [hbm4b:s6+s3], $0x80, v3, vm0, $0xb8;
	[tilespmem:$0x10080] =	vst v63  }
0x57: {  	s23 =	simm.s32 $0xB880  }
0x58: {  	[tilespmem:s23], [sflag:$0x2] =	stream.indirect_vreg.gather [hbm4b:s7+s3], $0x80, v3, vm0, $0xb8;
	[tilespmem:$0x10080] =	vst v63  }
0x59: {  	v3 =	vld [tilespmem:$0x30];
	_ =	sdelay $0x4  }
0x5a: {  	v59 =	vshll.u32 v3, $0x3  }
0x5b: {  	v3 =	vand.u32 $0x7, v3;
	v4 =	vand.u32 $0xFFFFFFC0, v59  }
0x5c: {  	v3 =	vor.u32 v3, v4  }
0x5d: {  	v4 =	vperm.xlane v3, v0;
	_ =	sdelay $0x1  }
0x5e: {  	v4 =	vadd.s32 v1, v4;
	_ =	sdelay $0x3  }
0x5f: {  	s23 =	simm.s32 $0xC080  }
0x60: {  	[tilespmem:s23], [sflag:$0x2] =	stream.indirect_vreg.gather [hbm4b:s1+s3], $0x80, v4, vm0, $0xb8;
	[tilespmem:$0x10080] =	vst v63  }
0x61: {  	v3 =	vperm.xlane v3, v2;
	s23 =	simm.s32 $0xC880  }
0x62: {  	[tilespmem:s23], [sflag:$0x2] =	stream.indirect_vreg.gather [hbm4b:s5+s3], $0x80, v4, vm0, $0xb8;
	[tilespmem:$0x10080] =	vst v63  }
0x63: {  	v3 =	vadd.s32 v1, v3;
	s23 =	simm.s32 $0xD080  }
0x64: {  	[tilespmem:s23], [sflag:$0x2] =	stream.indirect_vreg.gather [hbm4b:s6+s3], $0x80, v4, vm0, $0xb8;
	[tilespmem:$0x10080] =	vst v63  }
0x65: {  	s23 =	simm.s32 $0xD880  }
0x66: {  	[tilespmem:s23], [sflag:$0x2] =	stream.indirect_vreg.gather [hbm4b:s7+s3], $0x80, v4, vm0, $0xb8;
	[tilespmem:$0x10080] =	vst v63  }
0x67: {  	s23 =	simm.s32 $0xE080  }
0x68: {  	[tilespmem:s23], [sflag:$0x2] =	stream.indirect_vreg.gather [hbm4b:s1+s3], $0x80, v3, vm0, $0xb8;
	[tilespmem:$0x10080] =	vst v63  }
0x69: {  	s23 =	simm.s32 $0xE880  }
0x6a: {  	[tilespmem:s23], [sflag:$0x2] =	stream.indirect_vreg.gather [hbm4b:s5+s3], $0x80, v3, vm0, $0xb8;
	[tilespmem:$0x10080] =	vst v63  }
0x6b: {  	s23 =	simm.s32 $0xF080  }
0x6c: {  	[tilespmem:s23], [sflag:$0x2] =	stream.indirect_vreg.gather [hbm4b:s6+s3], $0x80, v3, vm0, $0xb8;
	[tilespmem:$0x10080] =	vst v63  }
0x6d: {  	s23 =	simm.s32 $0xF880  }
0x6e: {  	[tilespmem:s23], [sflag:$0x2] =	stream.indirect_vreg.gather [hbm4b:s7+s3], $0x80, v3, vm0, $0xb8;
	[tilespmem:$0x10080] =	vst v63  }
0x6f: {  	_ =	swait.ge [sflag:s9], $0x8000  }
0x70: {  	[sflag:s9] =	ssyncset.done $0x0  }
0x71: {  	s23 =	rddreg [dreg:$0x8];
	[sflag:s9] =	ssyncadd.s32 $0xFFFF8000  }
0x72: {  	[hbm4b:s23+s3] =	stream.linear.scatter [tilespmem:s26], [sflag:$0x3], $0x8000, $0x38;
	[tilespmem:$0x10080] =	vst v63  }
0x73: {  	_ =	swait.ge [sflag:s21], $0x8000  }
0x74: {  	[sflag:s21] =	ssyncset.done $0x0  }
0x75: {  	[sflag:s21] =	ssyncadd.s32 $0xFFFF8000  }
0x76: {  	v3 =	vld [tilespmem:$0x40];
	_ =	sdelay $0x4  }
0x77: {  	v60 =	vshll.u32 v3, $0x3  }
0x78: {  	v3 =	vand.u32 $0x7, v3;
	v4 =	vand.u32 $0xFFFFFFC0, v60  }
0x79: {  	v3 =	vor.u32 v3, v4  }
0x7a: {  	v4 =	vperm.xlane v3, v0;
	_ =	sdelay $0x1  }
0x7b: {  	v4 =	vadd.s32 v1, v4;
	_ =	sdelay $0x4  }
0x7c: {  	[tilespmem:s26], [sflag:$0x1] =	stream.indirect_vreg.gather [hbm4b:s1+s3], $0x80, v4, vm0, $0xb8;
	[tilespmem:$0x10080] =	vst v63  }
0x7d: {  	v3 =	vperm.xlane v3, v2  }
0x7e: {  	[tilespmem:s24], [sflag:$0x1] =	stream.indirect_vreg.gather [hbm4b:s5+s3], $0x80, v4, vm0, $0xb8;
	[tilespmem:$0x10080] =	vst v63  }
0x7f: {  	v3 =	vadd.s32 v1, v3  }
0x80: {  	[tilespmem:s25], [sflag:$0x1] =	stream.indirect_vreg.gather [hbm4b:s6+s3], $0x80, v4, vm0, $0xb8;
	[tilespmem:$0x10080] =	vst v63  }
0x81: {  	_ = 	snop  }
0x82: {  	[tilespmem:s28], [sflag:$0x1] =	stream.indirect_vreg.gather [hbm4b:s7+s3], $0x80, v4, vm0, $0xb8;
	[tilespmem:$0x10080] =	vst v63  }
0x83: {  	_ = 	snop  }
0x84: {  	[tilespmem:s29], [sflag:$0x1] =	stream.indirect_vreg.gather [hbm4b:s1+s3], $0x80, v3, vm0, $0xb8;
	[tilespmem:$0x10080] =	vst v63  }
0x85: {  	_ = 	snop  }
0x86: {  	[tilespmem:s30], [sflag:$0x1] =	stream.indirect_vreg.gather [hbm4b:s5+s3], $0x80, v3, vm0, $0xb8;
	[tilespmem:$0x10080] =	vst v63  }
0x87: {  	_ = 	snop  }
0x88: {  	[tilespmem:s31], [sflag:$0x1] =	stream.indirect_vreg.gather [hbm4b:s6+s3], $0x80, v3, vm0, $0xb8;
	[tilespmem:$0x10080] =	vst v63  }
0x89: {  	_ = 	snop  }
0x8a: {  	[tilespmem:s0], [sflag:$0x1] =	stream.indirect_vreg.gather [hbm4b:s7+s3], $0x80, v3, vm0, $0xb8;
	[tilespmem:$0x10080] =	vst v63  }
0x8b: {  	v3 =	vld [tilespmem:$0x50];
	_ =	sdelay $0x4  }
0x8c: {  	v61 =	vshll.u32 v3, $0x3  }
0x8d: {  	v3 =	vand.u32 $0x7, v3;
	v4 =	vand.u32 $0xFFFFFFC0, v61  }
0x8e: {  	v3 =	vor.u32 v3, v4  }
0x8f: {  	v4 =	vperm.xlane v3, v0;
	_ =	sdelay $0x1  }
0x90: {  	v4 =	vadd.s32 v1, v4;
	_ =	sdelay $0x4  }
0x91: {  	[tilespmem:s2], [sflag:$0x1] =	stream.indirect_vreg.gather [hbm4b:s1+s3], $0x80, v4, vm0, $0xb8;
	[tilespmem:$0x10080] =	vst v63  }
0x92: {  	v3 =	vperm.xlane v3, v2  }
0x93: {  	[tilespmem:s11], [sflag:$0x1] =	stream.indirect_vreg.gather [hbm4b:s5+s3], $0x80, v4, vm0, $0xb8;
	[tilespmem:$0x10080] =	vst v63  }
0x94: {  	v3 =	vadd.s32 v1, v3  }
0x95: {  	[tilespmem:s12], [sflag:$0x1] =	stream.indirect_vreg.gather [hbm4b:s6+s3], $0x80, v4, vm0, $0xb8;
	[tilespmem:$0x10080] =	vst v63  }
0x96: {  	_ = 	snop  }
0x97: {  	[tilespmem:s13], [sflag:$0x1] =	stream.indirect_vreg.gather [hbm4b:s7+s3], $0x80, v4, vm0, $0xb8;
	[tilespmem:$0x10080] =	vst v63  }
0x98: {  	_ = 	snop  }
0x99: {  	[tilespmem:s14], [sflag:$0x1] =	stream.indirect_vreg.gather [hbm4b:s1+s3], $0x80, v3, vm0, $0xb8;
	[tilespmem:$0x10080] =	vst v63  }
0x9a: {  	_ = 	snop  }
0x9b: {  	[tilespmem:s15], [sflag:$0x1] =	stream.indirect_vreg.gather [hbm4b:s5+s3], $0x80, v3, vm0, $0xb8;
	[tilespmem:$0x10080] =	vst v63  }
0x9c: {  	_ = 	snop  }
0x9d: {  	[tilespmem:s16], [sflag:$0x1] =	stream.indirect_vreg.gather [hbm4b:s6+s3], $0x80, v3, vm0, $0xb8;
	[tilespmem:$0x10080] =	vst v63  }
0x9e: {  	_ = 	snop  }
0x9f: {  	[tilespmem:s17], [sflag:$0x1] =	stream.indirect_vreg.gather [hbm4b:s7+s3], $0x80, v3, vm0, $0xb8;
	[tilespmem:$0x10080] =	vst v63  }
0xa0: {  	_ =	swait.ge [sflag:s4], $0x8000  }
0xa1: {  	[sflag:s4] =	ssyncset.done $0x0  }
0xa2: {  	s0 =	rddreg [dreg:$0x5];
	[sflag:s4] =	ssyncadd.s32 $0xFFFF8000  }
0xa3: {  	[hbm4b:s0+s3] =	stream.linear.scatter [tilespmem:s20], [sflag:$0x4], $0x8000, $0x38;
	[tilespmem:$0x10080] =	vst v63  }
0xa4: {  	_ =	swait.ge [sflag:s22], $0x8000  }
0xa5: {  	[sflag:s22] =	ssyncset.done $0x0  }
0xa6: {  	[sflag:s22] =	ssyncadd.s32 $0xFFFF8000  }
0xa7: {  	v3 =	vld [tilespmem:$0x60];
	_ =	sdelay $0x4  }
0xa8: {  	v62 =	vshll.u32 v3, $0x3  }
0xa9: {  	v3 =	vand.u32 $0x7, v3;
	v4 =	vand.u32 $0xFFFFFFC0, v62  }
0xaa: {  	v3 =	vor.u32 v3, v4  }
0xab: {  	v4 =	vperm.xlane v3, v0;
	_ =	sdelay $0x1  }
0xac: {  	v4 =	vadd.s32 v1, v4;
	_ =	sdelay $0x4  }
0xad: {  	[tilespmem:s20], [sflag:$0x2] =	stream.indirect_vreg.gather [hbm4b:s1+s3], $0x80, v4, vm0, $0xb8;
	[tilespmem:$0x10080] =	vst v63  }
0xae: {  	v3 =	vperm.xlane v3, v2  }
0xaf: {  	[tilespmem:s18], [sflag:$0x2] =	stream.indirect_vreg.gather [hbm4b:s5+s3], $0x80, v4, vm0, $0xb8;
	[tilespmem:$0x10080] =	vst v63  }
0xb0: {  	v3 =	vadd.s32 v1, v3  }
0xb1: {  	[tilespmem:s19], [sflag:$0x2] =	stream.indirect_vreg.gather [hbm4b:s6+s3], $0x80, v4, vm0, $0xb8;
	[tilespmem:$0x10080] =	vst v63  }
0xb2: {  	s23 =	simm.s32 $0x9880  }
0xb3: {  	[tilespmem:s23], [sflag:$0x2] =	stream.indirect_vreg.gather [hbm4b:s7+s3], $0x80, v4, vm0, $0xb8;
	[tilespmem:$0x10080] =	vst v63  }
0xb4: {  	_ = 	snop  }
0xb5: {  	[tilespmem:s10], [sflag:$0x2] =	stream.indirect_vreg.gather [hbm4b:s1+s3], $0x80, v3, vm0, $0xb8;
	[tilespmem:$0x10080] =	vst v63  }
0xb6: {  	s23 =	simm.s32 $0xA880  }
0xb7: {  	[tilespmem:s23], [sflag:$0x2] =	stream.indirect_vreg.gather [hbm4b:s5+s3], $0x80, v3, vm0, $0xb8;
	[tilespmem:$0x10080] =	vst v63  }
0xb8: {  	s10 =	simm.s32 $0xB080  }
0xb9: {  	[tilespmem:s10], [sflag:$0x2] =	stream.indirect_vreg.gather [hbm4b:s6+s3], $0x80, v3, vm0, $0xb8;
	[tilespmem:$0x10080] =	vst v63  }
0xba: {  	s23 =	simm.s32 $0xB880  }
0xbb: {  	[tilespmem:s23], [sflag:$0x2] =	stream.indirect_vreg.gather [hbm4b:s7+s3], $0x80, v3, vm0, $0xb8;
	[tilespmem:$0x10080] =	vst v63  }
0xbc: {  	v3 =	vld [tilespmem:$0x70];
	_ =	sdelay $0x4  }
0xbd: {  	v63 =	vshll.u32 v3, $0x3  }
0xbe: {  	v3 =	vand.u32 $0x7, v3;
	v4 =	vand.u32 $0xFFFFFFC0, v63  }
0xbf: {  	v3 =	vor.u32 v3, v4  }
0xc0: {  	v4 =	vperm.xlane v3, v0;
	_ =	sdelay $0x1  }
0xc1: {  	v4 =	vadd.s32 v1, v4;
	_ =	sdelay $0x3  }
0xc2: {  	s10 =	simm.s32 $0xC080  }
0xc3: {  	[tilespmem:s10], [sflag:$0x2] =	stream.indirect_vreg.gather [hbm4b:s1+s3], $0x80, v4, vm0, $0xb8;
	[tilespmem:$0x10080] =	vst v63  }
0xc4: {  	s23 =	simm.s32 $0xC880;
	v3 =	vperm.xlane v3, v2  }
0xc5: {  	[tilespmem:s23], [sflag:$0x2] =	stream.indirect_vreg.gather [hbm4b:s5+s3], $0x80, v4, vm0, $0xb8;
	[tilespmem:$0x10080] =	vst v63  }
0xc6: {  	v3 =	vadd.s32 v1, v3;
	s10 =	simm.s32 $0xD080  }
0xc7: {  	[tilespmem:s10], [sflag:$0x2] =	stream.indirect_vreg.gather [hbm4b:s6+s3], $0x80, v4, vm0, $0xb8;
	[tilespmem:$0x10080] =	vst v63  }
0xc8: {  	s23 =	simm.s32 $0xD880  }
0xc9: {  	[tilespmem:s23], [sflag:$0x2] =	stream.indirect_vreg.gather [hbm4b:s7+s3], $0x80, v4, vm0, $0xb8;
	[tilespmem:$0x10080] =	vst v63  }
0xca: {  	s10 =	simm.s32 $0xE080  }
0xcb: {  	[tilespmem:s10], [sflag:$0x2] =	stream.indirect_vreg.gather [hbm4b:s1+s3], $0x80, v3, vm0, $0xb8;
	[tilespmem:$0x10080] =	vst v63  }
0xcc: {  	s23 =	simm.s32 $0xE880  }
0xcd: {  	[tilespmem:s23], [sflag:$0x2] =	stream.indirect_vreg.gather [hbm4b:s5+s3], $0x80, v3, vm0, $0xb8;
	[tilespmem:$0x10080] =	vst v63  }
0xce: {  	s10 =	simm.s32 $0xF080  }
0xcf: {  	[tilespmem:s10], [sflag:$0x2] =	stream.indirect_vreg.gather [hbm4b:s6+s3], $0x80, v3, vm0, $0xb8;
	[tilespmem:$0x10080] =	vst v63  }
0xd0: {  	s23 =	simm.s32 $0xF880  }
0xd1: {  	[tilespmem:s23], [sflag:$0x2] =	stream.indirect_vreg.gather [hbm4b:s7+s3], $0x80, v3, vm0, $0xb8;
	[tilespmem:$0x10080] =	vst v63  }
0xd2: {  	_ =	swait.ge [sflag:s9], $0x8000  }
0xd3: {  	[sflag:s9] =	ssyncset.done $0x0  }
0xd4: {  	s0 =	rddreg [dreg:$0x6];
	[sflag:s9] =	ssyncadd.s32 $0xFFFF8000  }
0xd5: {  	[hbm4b:s0+s3] =	stream.linear.scatter [tilespmem:s26], [sflag:$0x3], $0x8000, $0x38;
	[tilespmem:$0x10080] =	vst v63  }
0xd6: {  	_ =	swait.ge [sflag:s4], $0x8000  }
0xd7: {  	[sflag:s4] =	ssyncset.done $0x0  }
0xd8: {  	s10 =	rddreg [dreg:$0x7];
	[sflag:s4] =	ssyncadd.s32 $0xFFFF8000  }
0xd9: {  	[hbm4b:s10+s3] =	stream.linear.scatter [tilespmem:s20], [sflag:$0x4], $0x8000, $0x38;
	[tilespmem:$0x10080] =	vst v63  }
0xda: {  	p0 =	sne.s32 s8, $0x1;
	_ =	swait.ge [sflag:s21], $0x8000  }
.Ltmp0:
0xdb: {  	[sflag:s21] =	ssyncset.done $0x0;
	(pc) =	sbr.rel @p0 .LBB2_1-.Ltmp0, $4  }
0xdc: {  	[sflag:s21] =	ssyncadd.s32 $0xFFFF8000  }
0xdd: {  	_ =	swait.ge [sflag:s22], $0x8000  }
0xde: {  	[sflag:s22] =	ssyncset.done $0x0  }
0xdf: {  	s8 =	sadd.s32 $0xFFFFFFFF, s8;
	[sflag:s22] =	ssyncadd.s32 $0xFFFF8000  }
0xe0: {  	_ =	sfence.sel $0x180000  }
0xe1: {  	[bflag:$0x0] =	sbarrier.arrive $0xFFFF  }
0xe2: {  	_ =	strace $0x9000004A  }
0xe3: {  	s0 =	stileid.u32;
	[bflag:$0x2] =	sbarrier.arrive $0xFFFF  }
0xe4: {  	p0 =	sne.s32 s0, $0x0;
	s0 =	rddreg [dreg:$0x3]  }
0xe5: {  	s0 =	sadd.s32 @!p0 $0x100000, s0  }
0xe6: {  	[sflag:s0] =	ssyncadd.tile.s32 @!p0 $0x1;
	_ =	shalt  }
.Lfunc_end2:
_tile_overlayer_lowered:
.L_overlay_start_2:
0xe7: {  	(tag) =	ssettag $0x2  }
0xe8: {  	s0 =	rddreg [dreg:$0x0];
	s2 =	stileid.u32  }
0xe9: {  	s1 =	rddreg [dreg:$0x1];
	p0 =	sne.s32 s2, $0x0  }
0xea: {  	s3 =	rddreg [dreg:$0x2];
	[bflag:$0x3] =	sbarrier.arrive $0xFFFF;
	s2 =	simm.s32 @!p0 $0x1C05  }
0xeb: {  	[timem:s3], [sflag:s2] =	dma.local @!p0 [hbm:s0], s1  }
0xec: {  	s0 =	simm.s32 @!p0 $0x5  }
0xed: {  	_ =	swait.ge @!p0 [sflag:s0], s1  }
0xee: {  	s1 =	ssub.s32 @!p0 $0x0, s1;
	[sflag:s0] =	ssyncset.done @!p0 $0x0  }
0xef: {  	[sflag:s0] =	ssyncadd.s32 @!p0 s1  }
0xf0: {  	[bflag:$0x3] =	sbarrier.arrive $0xFFFF  }
0xf1: {  	_ =	shalt  }

</sc_bundles>
